<compile_context>
chip_gen: v7x
topology: tpu7x:2x2x1
jax: 0.10.2.dev20260603
libtpu: 0.0.44.dev20260713+nightly
codegen_flags: <defaults>
</compile_context>

<pallas_src>
import functools

import jax
import jax.numpy as jnp
from jax import lax
from jax.experimental import pallas as pl
from jax.experimental.pallas import tpu as pltpu
from jax.experimental.pallas import tpu_sc as plsc

_NUM_CORES = 2
_NUM_SUBCORES = 16
_LANES = 16
_NW = _NUM_CORES * _NUM_SUBCORES


@functools.partial(jax.jit, static_argnums=(0, 1, 2))
def _pos_embed_sc(B, H, W, row_embed, col_embed):
    D = row_embed.shape[1]
    C = 2 * D
    CPW = D // _NW
    NJ = W // _LANES
    PLANE = H * W
    mesh = plsc.VectorSubcoreMesh(core_axis_name="c", subcore_axis_name="s")

    row_flat = row_embed[:H].reshape(H * D)
    col_flat = col_embed[:H].reshape(H * D)

    @functools.partial(
        pl.kernel,
        out_type=jax.ShapeDtypeStruct((B * C * PLANE,), jnp.float32),
        mesh=mesh,
        compiler_params=pltpu.CompilerParams(needs_layout_passes=False),
        scratch_types=[
            pltpu.VMEM((H * D,), jnp.float32),
            pltpu.VMEM((H * D,), jnp.float32),
            pltpu.VMEM((2 * CPW * PLANE,), jnp.float32),
            pltpu.SemaphoreType.DMA,
        ],
    )
    def k(row_hbm, col_hbm, out_hbm, tabc, tabr, buf, sem):
        wid = lax.axis_index("s") * _NUM_CORES + lax.axis_index("c")
        cbase = wid * CPW

        pltpu.sync_copy(col_hbm, tabc)
        pltpu.sync_copy(row_hbm, tabr)

        base_ids = lax.iota(jnp.int32, _LANES)

        for cl in range(CPW):
            ch = cbase + cl
            vecs = [
                plsc.load_gather(tabc, [(base_ids + kj * _LANES) * D + ch])
                for kj in range(NJ)
            ]

            def col_body(i, _, cl=cl, vecs=vecs):
                for kj in range(NJ):
                    buf[pl.ds(cl * PLANE + i * W + kj * _LANES, _LANES)] = (
                        vecs[kj])
                return 0

            lax.fori_loop(0, H, col_body, 0)

        def row_body(i, _):
            v = tabr[pl.ds(i * D + cbase, _LANES)]
            for cl in range(CPW):
                s = jnp.full((_LANES,), v[cl], jnp.float32)
                for kj in range(NJ):
                    buf[pl.ds((CPW + cl) * PLANE + i * W + kj * _LANES,
                              _LANES)] = s
            return 0

        lax.fori_loop(0, H, row_body, 0)

        chunk = CPW * PLANE
        copies = []
        for b in range(B):
            copies.append(pltpu.async_copy(
                buf.at[pl.ds(0, chunk)],
                out_hbm.at[pl.ds((b * C + cbase) * PLANE, chunk)], sem))
            copies.append(pltpu.async_copy(
                buf.at[pl.ds(chunk, chunk)],
                out_hbm.at[pl.ds((b * C + D + cbase) * PLANE, chunk)], sem))
        for c in copies:
            c.wait()

    return k(row_flat, col_flat).reshape(B, C, H, W)


def kernel(x, row_embed, col_embed):
    B = x.shape[0]
    H, W = x.shape[-2], x.shape[-1]
    return _pos_embed_sc(B, H, W, row_embed, col_embed)

# --- scband reference (transcript-rebuilt; emitter-appended) ---
"""Pipeline reference for scband-position-embedding-learned-12386685681829 (READ-ONLY COPY).

The authoritative reference and input builder live on the scoring server;
editing this copy changes nothing except your own understanding.
"""

import jax, jax.numpy as jnp
import numpy as np

NUM_POS_FEATS = 256

def setup_inputs(seed: int = 0) -> dict:
    key = jax.random.key(seed)
    k1, k2, k3 = jax.random.split(key, 3)
    x = jax.random.normal(k1, (4, 2048, 32, 32), dtype=jnp.float32)
    # nn.init.uniform_ -> U[0,1)
    row_embed = jax.random.uniform(k2, (50, NUM_POS_FEATS), dtype=jnp.float32)
    col_embed = jax.random.uniform(k3, (50, NUM_POS_FEATS), dtype=jnp.float32)
    return {"x": x, "row_embed": row_embed, "col_embed": col_embed}

def reference(x, row_embed, col_embed):
    h, w = x.shape[-2], x.shape[-1]
    i = jnp.arange(w)
    j = jnp.arange(h)
    x_emb = jnp.take(col_embed, i, axis=0)  # [w, d]
    y_emb = jnp.take(row_embed, j, axis=0)  # [h, d]
    d = x_emb.shape[-1]
    x_part = jnp.broadcast_to(x_emb[None, :, :], (h, w, d))  # repeat along rows
    y_part = jnp.broadcast_to(y_emb[:, None, :], (h, w, d))  # repeat along cols
    pos = jnp.concatenate([x_part, y_part], axis=-1)  # [h, w, 2d]
    pos = jnp.transpose(pos, (2, 0, 1))[None, :, :, :]  # [1, 2d, h, w]
    pos = jnp.broadcast_to(pos, (x.shape[0],) + pos.shape[1:])  # [B, 2d, h, w]
    return pos

if __name__ == "__main__":
    import jax
    _d = setup_inputs()
    print(jax.jit(kernel)(*tuple(_d.values())))

</pallas_src>

<mosaic_0001>
#map = affine_map<(d0, d1) -> (0)>
module attributes {stable_mosaic.version = 14 : i64} {
  func.func @k(%arg0: i32, %arg1: i32, %arg2: memref<8192xf32, #tpu.memory_space<hbm>>, %arg3: memref<8192xf32, #tpu.memory_space<hbm>>, %arg4: memref<2097152xf32, #tpu.memory_space<hbm>>, %arg5: memref<8192xf32, #tpu.memory_space<vmem>>, %arg6: memref<8192xf32, #tpu.memory_space<vmem>>, %arg7: memref<16384xf32, #tpu.memory_space<vmem>>, %arg8: memref<!tpu.dma_semaphore, #tpu.memory_space<semaphore_mem>>) attributes {dimension_semantics = [#tpu.dimension_semantics<core_parallel>, #tpu.dimension_semantics<subcore_parallel>], iteration_bounds = array<i64: 2, 16>, scalar_prefetch = 0 : i64, scratch_operands = 4 : i64, tpu.core_type = #tpu.core_type<sc_vector_subcore>, window_params = [{transform_indices = #map}, {transform_indices = #map}, {transform_indices = #map}]} {
    %mul3A = arith.constant 2 : i32
    %mul3A_0 = arith.muli %arg1, %mul3A : i32
    %add3A = arith.addi %mul3A_0, %arg0 : i32
    %mul3A_1 = arith.constant 8 : i32
    %mul3A_2 = arith.muli %add3A, %mul3A_1 : i32
    "tpu.region"() ({
      %run_scoped3A = tpu.sem_alloc : memref<!tpu.dma_semaphore, #tpu.memory_space<semaphore_mem>>
      tpu.enqueue_dma source(%arg3 : memref<8192xf32, #tpu.memory_space<hbm>>) target(%arg5 : memref<8192xf32, #tpu.memory_space<vmem>>) target_semaphore(%run_scoped3A : memref<!tpu.dma_semaphore, #tpu.memory_space<semaphore_mem>>)
      tpu.wait_dma2 semaphore(%run_scoped3A : memref<!tpu.dma_semaphore, #tpu.memory_space<semaphore_mem>>) src(%arg3 : memref<8192xf32, #tpu.memory_space<hbm>>) dst(%arg5 : memref<8192xf32, #tpu.memory_space<vmem>>)
      tpu.yield
    }) : () -> ()
    "tpu.region"() ({
      %run_scoped3A = tpu.sem_alloc : memref<!tpu.dma_semaphore, #tpu.memory_space<semaphore_mem>>
      tpu.enqueue_dma source(%arg2 : memref<8192xf32, #tpu.memory_space<hbm>>) target(%arg6 : memref<8192xf32, #tpu.memory_space<vmem>>) target_semaphore(%run_scoped3A : memref<!tpu.dma_semaphore, #tpu.memory_space<semaphore_mem>>)
      tpu.wait_dma2 semaphore(%run_scoped3A : memref<!tpu.dma_semaphore, #tpu.memory_space<semaphore_mem>>) src(%arg2 : memref<8192xf32, #tpu.memory_space<hbm>>) dst(%arg6 : memref<8192xf32, #tpu.memory_space<vmem>>)
      tpu.yield
    }) : () -> ()
    %iota3A = tpu.iota {dimensions = array<i32: 0>} : vector<16xi32>
    %add3A_3 = arith.constant 0 : i32
    %add3A_4 = arith.addi %mul3A_2, %add3A_3 : i32
    %add3A_5 = arith.constant 0 : i32
    %add3A_6 = vector.broadcast %add3A_5 : i32 to vector<16xi32>
    %add3A_7 = arith.addi %iota3A, %add3A_6 : vector<16xi32>
    %mul3A_8 = arith.constant 256 : i32
    %mul3A_9 = vector.broadcast %mul3A_8 : i32 to vector<16xi32>
    %mul3A_10 = arith.muli %add3A_7, %mul3A_9 : vector<16xi32>
    %add3A_11 = vector.broadcast %add3A_4 : i32 to vector<16xi32>
    %add3A_12 = arith.addi %mul3A_10, %add3A_11 : vector<16xi32>
    %gather3A = tpu.vector_load_idx %arg5[%add3A_12] : memref<8192xf32, #tpu.memory_space<vmem>>[vector<16xi32>], vector<16xf32>,
    %add3A_13 = arith.constant 16 : i32
    %add3A_14 = vector.broadcast %add3A_13 : i32 to vector<16xi32>
    %add3A_15 = arith.addi %iota3A, %add3A_14 : vector<16xi32>
    %mul3A_16 = arith.constant 256 : i32
    %mul3A_17 = vector.broadcast %mul3A_16 : i32 to vector<16xi32>
    %mul3A_18 = arith.muli %add3A_15, %mul3A_17 : vector<16xi32>
    %add3A_19 = vector.broadcast %add3A_4 : i32 to vector<16xi32>
    %add3A_20 = arith.addi %mul3A_18, %add3A_19 : vector<16xi32>
    %gather3A_21 = tpu.vector_load_idx %arg5[%add3A_20] : memref<8192xf32, #tpu.memory_space<vmem>>[vector<16xi32>], vector<16xf32>,
    %scan3A = arith.constant 0 : i32
    %scan3A_22 = arith.constant 0 : i32
    %scan3A_23 = arith.constant 32 : i32
    %scan3A_24 = arith.addi %scan3A_22, %scan3A_23 : i32
    %scan3A_25 = arith.constant 1 : i32
    %scan3A_26 = scf.for %scan3A_350 = %scan3A_22 to %scan3A_24 step %scan3A_25 iter_args(%scan3A_351 = %scan3A) -> (i32)  : i32 {
      %mul3A_352 = arith.constant 32 : i32
      %mul3A_353 = arith.muli %scan3A_350, %mul3A_352 : i32
      %add3A_354 = arith.constant 0 : i32
      %add3A_355 = arith.addi %add3A_354, %mul3A_353 : i32
      %add3A_356 = arith.constant 0 : i32
      %add3A_357 = arith.addi %add3A_355, %add3A_356 : i32
      %swap3A = arith.index_cast %add3A_357 : i32 to index
      %swap3A_358 = tpu.vector_load %arg7[%swap3A] {strides = array<i32>} : memref<16384xf32, #tpu.memory_space<vmem>>, vector<16xf32>,
      tpu.vector_store %arg7[%swap3A], %gather3A {strides = array<i32>} : memref<16384xf32, #tpu.memory_space<vmem>>, vector<16xf32>,
      %mul3A_359 = arith.constant 32 : i32
      %mul3A_360 = arith.muli %scan3A_350, %mul3A_359 : i32
      %add3A_361 = arith.constant 0 : i32
      %add3A_362 = arith.addi %add3A_361, %mul3A_360 : i32
      %add3A_363 = arith.constant 16 : i32
      %add3A_364 = arith.addi %add3A_362, %add3A_363 : i32
      %swap3A_365 = arith.index_cast %add3A_364 : i32 to index
      %swap3A_366 = tpu.vector_load %arg7[%swap3A_365] {strides = array<i32>} : memref<16384xf32, #tpu.memory_space<vmem>>, vector<16xf32>,
      tpu.vector_store %arg7[%swap3A_365], %gather3A_21 {strides = array<i32>} : memref<16384xf32, #tpu.memory_space<vmem>>, vector<16xf32>,
      %scan3A_367 = arith.constant 0 : i32
      scf.yield %scan3A_367 : i32
    }
    %scan3A_27 = arith.constant 32 : i32
    %add3A_28 = arith.constant 1 : i32
    %add3A_29 = arith.addi %mul3A_2, %add3A_28 : i32
    %add3A_30 = arith.constant 0 : i32
    %add3A_31 = vector.broadcast %add3A_30 : i32 to vector<16xi32>
    %add3A_32 = arith.addi %iota3A, %add3A_31 : vector<16xi32>
    %mul3A_33 = arith.constant 256 : i32
    %mul3A_34 = vector.broadcast %mul3A_33 : i32 to vector<16xi32>
    %mul3A_35 = arith.muli %add3A_32, %mul3A_34 : vector<16xi32>
    %add3A_36 = vector.broadcast %add3A_29 : i32 to vector<16xi32>
    %add3A_37 = arith.addi %mul3A_35, %add3A_36 : vector<16xi32>
    %gather3A_38 = tpu.vector_load_idx %arg5[%add3A_37] : memref<8192xf32, #tpu.memory_space<vmem>>[vector<16xi32>], vector<16xf32>,
    %add3A_39 = arith.constant 16 : i32
    %add3A_40 = vector.broadcast %add3A_39 : i32 to vector<16xi32>
    %add3A_41 = arith.addi %iota3A, %add3A_40 : vector<16xi32>
    %mul3A_42 = arith.constant 256 : i32
    %mul3A_43 = vector.broadcast %mul3A_42 : i32 to vector<16xi32>
    %mul3A_44 = arith.muli %add3A_41, %mul3A_43 : vector<16xi32>
    %add3A_45 = vector.broadcast %add3A_29 : i32 to vector<16xi32>
    %add3A_46 = arith.addi %mul3A_44, %add3A_45 : vector<16xi32>
    %gather3A_47 = tpu.vector_load_idx %arg5[%add3A_46] : memref<8192xf32, #tpu.memory_space<vmem>>[vector<16xi32>], vector<16xf32>,
    %scan3A_48 = arith.constant 0 : i32
    %scan3A_49 = arith.constant 0 : i32
    %scan3A_50 = arith.constant 32 : i32
    %scan3A_51 = arith.addi %scan3A_49, %scan3A_50 : i32
    %scan3A_52 = arith.constant 1 : i32
    %scan3A_53 = scf.for %scan3A_350 = %scan3A_49 to %scan3A_51 step %scan3A_52 iter_args(%scan3A_351 = %scan3A_48) -> (i32)  : i32 {
      %mul3A_352 = arith.constant 32 : i32
      %mul3A_353 = arith.muli %scan3A_350, %mul3A_352 : i32
      %add3A_354 = arith.constant 1024 : i32
      %add3A_355 = arith.addi %add3A_354, %mul3A_353 : i32
      %add3A_356 = arith.constant 0 : i32
      %add3A_357 = arith.addi %add3A_355, %add3A_356 : i32
      %swap3A = arith.index_cast %add3A_357 : i32 to index
      %swap3A_358 = tpu.vector_load %arg7[%swap3A] {strides = array<i32>} : memref<16384xf32, #tpu.memory_space<vmem>>, vector<16xf32>,
      tpu.vector_store %arg7[%swap3A], %gather3A_38 {strides = array<i32>} : memref<16384xf32, #tpu.memory_space<vmem>>, vector<16xf32>,
      %mul3A_359 = arith.constant 32 : i32
      %mul3A_360 = arith.muli %scan3A_350, %mul3A_359 : i32
      %add3A_361 = arith.constant 1024 : i32
      %add3A_362 = arith.addi %add3A_361, %mul3A_360 : i32
      %add3A_363 = arith.constant 16 : i32
      %add3A_364 = arith.addi %add3A_362, %add3A_363 : i32
      %swap3A_365 = arith.index_cast %add3A_364 : i32 to index
      %swap3A_366 = tpu.vector_load %arg7[%swap3A_365] {strides = array<i32>} : memref<16384xf32, #tpu.memory_space<vmem>>, vector<16xf32>,
      tpu.vector_store %arg7[%swap3A_365], %gather3A_47 {strides = array<i32>} : memref<16384xf32, #tpu.memory_space<vmem>>, vector<16xf32>,
      %scan3A_367 = arith.constant 0 : i32
      scf.yield %scan3A_367 : i32
    }
    %scan3A_54 = arith.constant 32 : i32
    %add3A_55 = arith.constant 2 : i32
    %add3A_56 = arith.addi %mul3A_2, %add3A_55 : i32
    %add3A_57 = arith.constant 0 : i32
    %add3A_58 = vector.broadcast %add3A_57 : i32 to vector<16xi32>
    %add3A_59 = arith.addi %iota3A, %add3A_58 : vector<16xi32>
    %mul3A_60 = arith.constant 256 : i32
    %mul3A_61 = vector.broadcast %mul3A_60 : i32 to vector<16xi32>
    %mul3A_62 = arith.muli %add3A_59, %mul3A_61 : vector<16xi32>
    %add3A_63 = vector.broadcast %add3A_56 : i32 to vector<16xi32>
    %add3A_64 = arith.addi %mul3A_62, %add3A_63 : vector<16xi32>
    %gather3A_65 = tpu.vector_load_idx %arg5[%add3A_64] : memref<8192xf32, #tpu.memory_space<vmem>>[vector<16xi32>], vector<16xf32>,
    %add3A_66 = arith.constant 16 : i32
    %add3A_67 = vector.broadcast %add3A_66 : i32 to vector<16xi32>
    %add3A_68 = arith.addi %iota3A, %add3A_67 : vector<16xi32>
    %mul3A_69 = arith.constant 256 : i32
    %mul3A_70 = vector.broadcast %mul3A_69 : i32 to vector<16xi32>
    %mul3A_71 = arith.muli %add3A_68, %mul3A_70 : vector<16xi32>
    %add3A_72 = vector.broadcast %add3A_56 : i32 to vector<16xi32>
    %add3A_73 = arith.addi %mul3A_71, %add3A_72 : vector<16xi32>
    %gather3A_74 = tpu.vector_load_idx %arg5[%add3A_73] : memref<8192xf32, #tpu.memory_space<vmem>>[vector<16xi32>], vector<16xf32>,
    %scan3A_75 = arith.constant 0 : i32
    %scan3A_76 = arith.constant 0 : i32
    %scan3A_77 = arith.constant 32 : i32
    %scan3A_78 = arith.addi %scan3A_76, %scan3A_77 : i32
    %scan3A_79 = arith.constant 1 : i32
    %scan3A_80 = scf.for %scan3A_350 = %scan3A_76 to %scan3A_78 step %scan3A_79 iter_args(%scan3A_351 = %scan3A_75) -> (i32)  : i32 {
      %mul3A_352 = arith.constant 32 : i32
      %mul3A_353 = arith.muli %scan3A_350, %mul3A_352 : i32
      %add3A_354 = arith.constant 2048 : i32
      %add3A_355 = arith.addi %add3A_354, %mul3A_353 : i32
      %add3A_356 = arith.constant 0 : i32
      %add3A_357 = arith.addi %add3A_355, %add3A_356 : i32
      %swap3A = arith.index_cast %add3A_357 : i32 to index
      %swap3A_358 = tpu.vector_load %arg7[%swap3A] {strides = array<i32>} : memref<16384xf32, #tpu.memory_space<vmem>>, vector<16xf32>,
      tpu.vector_store %arg7[%swap3A], %gather3A_65 {strides = array<i32>} : memref<16384xf32, #tpu.memory_space<vmem>>, vector<16xf32>,
      %mul3A_359 = arith.constant 32 : i32
      %mul3A_360 = arith.muli %scan3A_350, %mul3A_359 : i32
      %add3A_361 = arith.constant 2048 : i32
      %add3A_362 = arith.addi %add3A_361, %mul3A_360 : i32
      %add3A_363 = arith.constant 16 : i32
      %add3A_364 = arith.addi %add3A_362, %add3A_363 : i32
      %swap3A_365 = arith.index_cast %add3A_364 : i32 to index
      %swap3A_366 = tpu.vector_load %arg7[%swap3A_365] {strides = array<i32>} : memref<16384xf32, #tpu.memory_space<vmem>>, vector<16xf32>,
      tpu.vector_store %arg7[%swap3A_365], %gather3A_74 {strides = array<i32>} : memref<16384xf32, #tpu.memory_space<vmem>>, vector<16xf32>,
      %scan3A_367 = arith.constant 0 : i32
      scf.yield %scan3A_367 : i32
    }
    %scan3A_81 = arith.constant 32 : i32
    %add3A_82 = arith.constant 3 : i32
    %add3A_83 = arith.addi %mul3A_2, %add3A_82 : i32
    %add3A_84 = arith.constant 0 : i32
    %add3A_85 = vector.broadcast %add3A_84 : i32 to vector<16xi32>
    %add3A_86 = arith.addi %iota3A, %add3A_85 : vector<16xi32>
    %mul3A_87 = arith.constant 256 : i32
    %mul3A_88 = vector.broadcast %mul3A_87 : i32 to vector<16xi32>
    %mul3A_89 = arith.muli %add3A_86, %mul3A_88 : vector<16xi32>
    %add3A_90 = vector.broadcast %add3A_83 : i32 to vector<16xi32>
    %add3A_91 = arith.addi %mul3A_89, %add3A_90 : vector<16xi32>
    %gather3A_92 = tpu.vector_load_idx %arg5[%add3A_91] : memref<8192xf32, #tpu.memory_space<vmem>>[vector<16xi32>], vector<16xf32>,
    %add3A_93 = arith.constant 16 : i32
    %add3A_94 = vector.broadcast %add3A_93 : i32 to vector<16xi32>
    %add3A_95 = arith.addi %iota3A, %add3A_94 : vector<16xi32>
    %mul3A_96 = arith.constant 256 : i32
    %mul3A_97 = vector.broadcast %mul3A_96 : i32 to vector<16xi32>
    %mul3A_98 = arith.muli %add3A_95, %mul3A_97 : vector<16xi32>
    %add3A_99 = vector.broadcast %add3A_83 : i32 to vector<16xi32>
    %add3A_100 = arith.addi %mul3A_98, %add3A_99 : vector<16xi32>
    %gather3A_101 = tpu.vector_load_idx %arg5[%add3A_100] : memref<8192xf32, #tpu.memory_space<vmem>>[vector<16xi32>], vector<16xf32>,
    %scan3A_102 = arith.constant 0 : i32
    %scan3A_103 = arith.constant 0 : i32
    %scan3A_104 = arith.constant 32 : i32
    %scan3A_105 = arith.addi %scan3A_103, %scan3A_104 : i32
    %scan3A_106 = arith.constant 1 : i32
    %scan3A_107 = scf.for %scan3A_350 = %scan3A_103 to %scan3A_105 step %scan3A_106 iter_args(%scan3A_351 = %scan3A_102) -> (i32)  : i32 {
      %mul3A_352 = arith.constant 32 : i32
      %mul3A_353 = arith.muli %scan3A_350, %mul3A_352 : i32
      %add3A_354 = arith.constant 3072 : i32
      %add3A_355 = arith.addi %add3A_354, %mul3A_353 : i32
      %add3A_356 = arith.constant 0 : i32
      %add3A_357 = arith.addi %add3A_355, %add3A_356 : i32
      %swap3A = arith.index_cast %add3A_357 : i32 to index
      %swap3A_358 = tpu.vector_load %arg7[%swap3A] {strides = array<i32>} : memref<16384xf32, #tpu.memory_space<vmem>>, vector<16xf32>,
      tpu.vector_store %arg7[%swap3A], %gather3A_92 {strides = array<i32>} : memref<16384xf32, #tpu.memory_space<vmem>>, vector<16xf32>,
      %mul3A_359 = arith.constant 32 : i32
      %mul3A_360 = arith.muli %scan3A_350, %mul3A_359 : i32
      %add3A_361 = arith.constant 3072 : i32
      %add3A_362 = arith.addi %add3A_361, %mul3A_360 : i32
      %add3A_363 = arith.constant 16 : i32
      %add3A_364 = arith.addi %add3A_362, %add3A_363 : i32
      %swap3A_365 = arith.index_cast %add3A_364 : i32 to index
      %swap3A_366 = tpu.vector_load %arg7[%swap3A_365] {strides = array<i32>} : memref<16384xf32, #tpu.memory_space<vmem>>, vector<16xf32>,
      tpu.vector_store %arg7[%swap3A_365], %gather3A_101 {strides = array<i32>} : memref<16384xf32, #tpu.memory_space<vmem>>, vector<16xf32>,
      %scan3A_367 = arith.constant 0 : i32
      scf.yield %scan3A_367 : i32
    }
    %scan3A_108 = arith.constant 32 : i32
    %add3A_109 = arith.constant 4 : i32
    %add3A_110 = arith.addi %mul3A_2, %add3A_109 : i32
    %add3A_111 = arith.constant 0 : i32
    %add3A_112 = vector.broadcast %add3A_111 : i32 to vector<16xi32>
    %add3A_113 = arith.addi %iota3A, %add3A_112 : vector<16xi32>
    %mul3A_114 = arith.constant 256 : i32
    %mul3A_115 = vector.broadcast %mul3A_114 : i32 to vector<16xi32>
    %mul3A_116 = arith.muli %add3A_113, %mul3A_115 : vector<16xi32>
    %add3A_117 = vector.broadcast %add3A_110 : i32 to vector<16xi32>
    %add3A_118 = arith.addi %mul3A_116, %add3A_117 : vector<16xi32>
    %gather3A_119 = tpu.vector_load_idx %arg5[%add3A_118] : memref<8192xf32, #tpu.memory_space<vmem>>[vector<16xi32>], vector<16xf32>,
    %add3A_120 = arith.constant 16 : i32
    %add3A_121 = vector.broadcast %add3A_120 : i32 to vector<16xi32>
    %add3A_122 = arith.addi %iota3A, %add3A_121 : vector<16xi32>
    %mul3A_123 = arith.constant 256 : i32
    %mul3A_124 = vector.broadcast %mul3A_123 : i32 to vector<16xi32>
    %mul3A_125 = arith.muli %add3A_122, %mul3A_124 : vector<16xi32>
    %add3A_126 = vector.broadcast %add3A_110 : i32 to vector<16xi32>
    %add3A_127 = arith.addi %mul3A_125, %add3A_126 : vector<16xi32>
    %gather3A_128 = tpu.vector_load_idx %arg5[%add3A_127] : memref<8192xf32, #tpu.memory_space<vmem>>[vector<16xi32>], vector<16xf32>,
    %scan3A_129 = arith.constant 0 : i32
    %scan3A_130 = arith.constant 0 : i32
    %scan3A_131 = arith.constant 32 : i32
    %scan3A_132 = arith.addi %scan3A_130, %scan3A_131 : i32
    %scan3A_133 = arith.constant 1 : i32
    %scan3A_134 = scf.for %scan3A_350 = %scan3A_130 to %scan3A_132 step %scan3A_133 iter_args(%scan3A_351 = %scan3A_129) -> (i32)  : i32 {
      %mul3A_352 = arith.constant 32 : i32
      %mul3A_353 = arith.muli %scan3A_350, %mul3A_352 : i32
      %add3A_354 = arith.constant 4096 : i32
      %add3A_355 = arith.addi %add3A_354, %mul3A_353 : i32
      %add3A_356 = arith.constant 0 : i32
      %add3A_357 = arith.addi %add3A_355, %add3A_356 : i32
      %swap3A = arith.index_cast %add3A_357 : i32 to index
      %swap3A_358 = tpu.vector_load %arg7[%swap3A] {strides = array<i32>} : memref<16384xf32, #tpu.memory_space<vmem>>, vector<16xf32>,
      tpu.vector_store %arg7[%swap3A], %gather3A_119 {strides = array<i32>} : memref<16384xf32, #tpu.memory_space<vmem>>, vector<16xf32>,
      %mul3A_359 = arith.constant 32 : i32
      %mul3A_360 = arith.muli %scan3A_350, %mul3A_359 : i32
      %add3A_361 = arith.constant 4096 : i32
      %add3A_362 = arith.addi %add3A_361, %mul3A_360 : i32
      %add3A_363 = arith.constant 16 : i32
      %add3A_364 = arith.addi %add3A_362, %add3A_363 : i32
      %swap3A_365 = arith.index_cast %add3A_364 : i32 to index
      %swap3A_366 = tpu.vector_load %arg7[%swap3A_365] {strides = array<i32>} : memref<16384xf32, #tpu.memory_space<vmem>>, vector<16xf32>,
      tpu.vector_store %arg7[%swap3A_365], %gather3A_128 {strides = array<i32>} : memref<16384xf32, #tpu.memory_space<vmem>>, vector<16xf32>,
      %scan3A_367 = arith.constant 0 : i32
      scf.yield %scan3A_367 : i32
    }
    %scan3A_135 = arith.constant 32 : i32
    %add3A_136 = arith.constant 5 : i32
    %add3A_137 = arith.addi %mul3A_2, %add3A_136 : i32
    %add3A_138 = arith.constant 0 : i32
    %add3A_139 = vector.broadcast %add3A_138 : i32 to vector<16xi32>
    %add3A_140 = arith.addi %iota3A, %add3A_139 : vector<16xi32>
    %mul3A_141 = arith.constant 256 : i32
    %mul3A_142 = vector.broadcast %mul3A_141 : i32 to vector<16xi32>
    %mul3A_143 = arith.muli %add3A_140, %mul3A_142 : vector<16xi32>
    %add3A_144 = vector.broadcast %add3A_137 : i32 to vector<16xi32>
    %add3A_145 = arith.addi %mul3A_143, %add3A_144 : vector<16xi32>
    %gather3A_146 = tpu.vector_load_idx %arg5[%add3A_145] : memref<8192xf32, #tpu.memory_space<vmem>>[vector<16xi32>], vector<16xf32>,
    %add3A_147 = arith.constant 16 : i32
    %add3A_148 = vector.broadcast %add3A_147 : i32 to vector<16xi32>
    %add3A_149 = arith.addi %iota3A, %add3A_148 : vector<16xi32>
    %mul3A_150 = arith.constant 256 : i32
    %mul3A_151 = vector.broadcast %mul3A_150 : i32 to vector<16xi32>
    %mul3A_152 = arith.muli %add3A_149, %mul3A_151 : vector<16xi32>
    %add3A_153 = vector.broadcast %add3A_137 : i32 to vector<16xi32>
    %add3A_154 = arith.addi %mul3A_152, %add3A_153 : vector<16xi32>
    %gather3A_155 = tpu.vector_load_idx %arg5[%add3A_154] : memref<8192xf32, #tpu.memory_space<vmem>>[vector<16xi32>], vector<16xf32>,
    %scan3A_156 = arith.constant 0 : i32
    %scan3A_157 = arith.constant 0 : i32
    %scan3A_158 = arith.constant 32 : i32
    %scan3A_159 = arith.addi %scan3A_157, %scan3A_158 : i32
    %scan3A_160 = arith.constant 1 : i32
    %scan3A_161 = scf.for %scan3A_350 = %scan3A_157 to %scan3A_159 step %scan3A_160 iter_args(%scan3A_351 = %scan3A_156) -> (i32)  : i32 {
      %mul3A_352 = arith.constant 32 : i32
      %mul3A_353 = arith.muli %scan3A_350, %mul3A_352 : i32
      %add3A_354 = arith.constant 5120 : i32
      %add3A_355 = arith.addi %add3A_354, %mul3A_353 : i32
      %add3A_356 = arith.constant 0 : i32
      %add3A_357 = arith.addi %add3A_355, %add3A_356 : i32
      %swap3A = arith.index_cast %add3A_357 : i32 to index
      %swap3A_358 = tpu.vector_load %arg7[%swap3A] {strides = array<i32>} : memref<16384xf32, #tpu.memory_space<vmem>>, vector<16xf32>,
      tpu.vector_store %arg7[%swap3A], %gather3A_146 {strides = array<i32>} : memref<16384xf32, #tpu.memory_space<vmem>>, vector<16xf32>,
      %mul3A_359 = arith.constant 32 : i32
      %mul3A_360 = arith.muli %scan3A_350, %mul3A_359 : i32
      %add3A_361 = arith.constant 5120 : i32
      %add3A_362 = arith.addi %add3A_361, %mul3A_360 : i32
      %add3A_363 = arith.constant 16 : i32
      %add3A_364 = arith.addi %add3A_362, %add3A_363 : i32
      %swap3A_365 = arith.index_cast %add3A_364 : i32 to index
      %swap3A_366 = tpu.vector_load %arg7[%swap3A_365] {strides = array<i32>} : memref<16384xf32, #tpu.memory_space<vmem>>, vector<16xf32>,
      tpu.vector_store %arg7[%swap3A_365], %gather3A_155 {strides = array<i32>} : memref<16384xf32, #tpu.memory_space<vmem>>, vector<16xf32>,
      %scan3A_367 = arith.constant 0 : i32
      scf.yield %scan3A_367 : i32
    }
    %scan3A_162 = arith.constant 32 : i32
    %add3A_163 = arith.constant 6 : i32
    %add3A_164 = arith.addi %mul3A_2, %add3A_163 : i32
    %add3A_165 = arith.constant 0 : i32
    %add3A_166 = vector.broadcast %add3A_165 : i32 to vector<16xi32>
    %add3A_167 = arith.addi %iota3A, %add3A_166 : vector<16xi32>
    %mul3A_168 = arith.constant 256 : i32
    %mul3A_169 = vector.broadcast %mul3A_168 : i32 to vector<16xi32>
    %mul3A_170 = arith.muli %add3A_167, %mul3A_169 : vector<16xi32>
    %add3A_171 = vector.broadcast %add3A_164 : i32 to vector<16xi32>
    %add3A_172 = arith.addi %mul3A_170, %add3A_171 : vector<16xi32>
    %gather3A_173 = tpu.vector_load_idx %arg5[%add3A_172] : memref<8192xf32, #tpu.memory_space<vmem>>[vector<16xi32>], vector<16xf32>,
    %add3A_174 = arith.constant 16 : i32
    %add3A_175 = vector.broadcast %add3A_174 : i32 to vector<16xi32>
    %add3A_176 = arith.addi %iota3A, %add3A_175 : vector<16xi32>
    %mul3A_177 = arith.constant 256 : i32
    %mul3A_178 = vector.broadcast %mul3A_177 : i32 to vector<16xi32>
    %mul3A_179 = arith.muli %add3A_176, %mul3A_178 : vector<16xi32>
    %add3A_180 = vector.broadcast %add3A_164 : i32 to vector<16xi32>
    %add3A_181 = arith.addi %mul3A_179, %add3A_180 : vector<16xi32>
    %gather3A_182 = tpu.vector_load_idx %arg5[%add3A_181] : memref<8192xf32, #tpu.memory_space<vmem>>[vector<16xi32>], vector<16xf32>,
    %scan3A_183 = arith.constant 0 : i32
    %scan3A_184 = arith.constant 0 : i32
    %scan3A_185 = arith.constant 32 : i32
    %scan3A_186 = arith.addi %scan3A_184, %scan3A_185 : i32
    %scan3A_187 = arith.constant 1 : i32
    %scan3A_188 = scf.for %scan3A_350 = %scan3A_184 to %scan3A_186 step %scan3A_187 iter_args(%scan3A_351 = %scan3A_183) -> (i32)  : i32 {
      %mul3A_352 = arith.constant 32 : i32
      %mul3A_353 = arith.muli %scan3A_350, %mul3A_352 : i32
      %add3A_354 = arith.constant 6144 : i32
      %add3A_355 = arith.addi %add3A_354, %mul3A_353 : i32
      %add3A_356 = arith.constant 0 : i32
      %add3A_357 = arith.addi %add3A_355, %add3A_356 : i32
      %swap3A = arith.index_cast %add3A_357 : i32 to index
      %swap3A_358 = tpu.vector_load %arg7[%swap3A] {strides = array<i32>} : memref<16384xf32, #tpu.memory_space<vmem>>, vector<16xf32>,
      tpu.vector_store %arg7[%swap3A], %gather3A_173 {strides = array<i32>} : memref<16384xf32, #tpu.memory_space<vmem>>, vector<16xf32>,
      %mul3A_359 = arith.constant 32 : i32
      %mul3A_360 = arith.muli %scan3A_350, %mul3A_359 : i32
      %add3A_361 = arith.constant 6144 : i32
      %add3A_362 = arith.addi %add3A_361, %mul3A_360 : i32
      %add3A_363 = arith.constant 16 : i32
      %add3A_364 = arith.addi %add3A_362, %add3A_363 : i32
      %swap3A_365 = arith.index_cast %add3A_364 : i32 to index
      %swap3A_366 = tpu.vector_load %arg7[%swap3A_365] {strides = array<i32>} : memref<16384xf32, #tpu.memory_space<vmem>>, vector<16xf32>,
      tpu.vector_store %arg7[%swap3A_365], %gather3A_182 {strides = array<i32>} : memref<16384xf32, #tpu.memory_space<vmem>>, vector<16xf32>,
      %scan3A_367 = arith.constant 0 : i32
      scf.yield %scan3A_367 : i32
    }
    %scan3A_189 = arith.constant 32 : i32
    %add3A_190 = arith.constant 7 : i32
    %add3A_191 = arith.addi %mul3A_2, %add3A_190 : i32
    %add3A_192 = arith.constant 0 : i32
    %add3A_193 = vector.broadcast %add3A_192 : i32 to vector<16xi32>
    %add3A_194 = arith.addi %iota3A, %add3A_193 : vector<16xi32>
    %mul3A_195 = arith.constant 256 : i32
    %mul3A_196 = vector.broadcast %mul3A_195 : i32 to vector<16xi32>
    %mul3A_197 = arith.muli %add3A_194, %mul3A_196 : vector<16xi32>
    %add3A_198 = vector.broadcast %add3A_191 : i32 to vector<16xi32>
    %add3A_199 = arith.addi %mul3A_197, %add3A_198 : vector<16xi32>
    %gather3A_200 = tpu.vector_load_idx %arg5[%add3A_199] : memref<8192xf32, #tpu.memory_space<vmem>>[vector<16xi32>], vector<16xf32>,
    %add3A_201 = arith.constant 16 : i32
    %add3A_202 = vector.broadcast %add3A_201 : i32 to vector<16xi32>
    %add3A_203 = arith.addi %iota3A, %add3A_202 : vector<16xi32>
    %mul3A_204 = arith.constant 256 : i32
    %mul3A_205 = vector.broadcast %mul3A_204 : i32 to vector<16xi32>
    %mul3A_206 = arith.muli %add3A_203, %mul3A_205 : vector<16xi32>
    %add3A_207 = vector.broadcast %add3A_191 : i32 to vector<16xi32>
    %add3A_208 = arith.addi %mul3A_206, %add3A_207 : vector<16xi32>
    %gather3A_209 = tpu.vector_load_idx %arg5[%add3A_208] : memref<8192xf32, #tpu.memory_space<vmem>>[vector<16xi32>], vector<16xf32>,
    %scan3A_210 = arith.constant 0 : i32
    %scan3A_211 = arith.constant 0 : i32
    %scan3A_212 = arith.constant 32 : i32
    %scan3A_213 = arith.addi %scan3A_211, %scan3A_212 : i32
    %scan3A_214 = arith.constant 1 : i32
    %scan3A_215 = scf.for %scan3A_350 = %scan3A_211 to %scan3A_213 step %scan3A_214 iter_args(%scan3A_351 = %scan3A_210) -> (i32)  : i32 {
      %mul3A_352 = arith.constant 32 : i32
      %mul3A_353 = arith.muli %scan3A_350, %mul3A_352 : i32
      %add3A_354 = arith.constant 7168 : i32
      %add3A_355 = arith.addi %add3A_354, %mul3A_353 : i32
      %add3A_356 = arith.constant 0 : i32
      %add3A_357 = arith.addi %add3A_355, %add3A_356 : i32
      %swap3A = arith.index_cast %add3A_357 : i32 to index
      %swap3A_358 = tpu.vector_load %arg7[%swap3A] {strides = array<i32>} : memref<16384xf32, #tpu.memory_space<vmem>>, vector<16xf32>,
      tpu.vector_store %arg7[%swap3A], %gather3A_200 {strides = array<i32>} : memref<16384xf32, #tpu.memory_space<vmem>>, vector<16xf32>,
      %mul3A_359 = arith.constant 32 : i32
      %mul3A_360 = arith.muli %scan3A_350, %mul3A_359 : i32
      %add3A_361 = arith.constant 7168 : i32
      %add3A_362 = arith.addi %add3A_361, %mul3A_360 : i32
      %add3A_363 = arith.constant 16 : i32
      %add3A_364 = arith.addi %add3A_362, %add3A_363 : i32
      %swap3A_365 = arith.index_cast %add3A_364 : i32 to index
      %swap3A_366 = tpu.vector_load %arg7[%swap3A_365] {strides = array<i32>} : memref<16384xf32, #tpu.memory_space<vmem>>, vector<16xf32>,
      tpu.vector_store %arg7[%swap3A_365], %gather3A_209 {strides = array<i32>} : memref<16384xf32, #tpu.memory_space<vmem>>, vector<16xf32>,
      %scan3A_367 = arith.constant 0 : i32
      scf.yield %scan3A_367 : i32
    }
    %scan3A_216 = arith.constant 32 : i32
    %scan3A_217 = arith.constant 0 : i32
    %scan3A_218 = arith.constant 0 : i32
    %scan3A_219 = arith.constant 32 : i32
    %scan3A_220 = arith.addi %scan3A_218, %scan3A_219 : i32
    %scan3A_221 = arith.constant 1 : i32
    %scan3A_222 = scf.for %scan3A_350 = %scan3A_218 to %scan3A_220 step %scan3A_221 iter_args(%scan3A_351 = %scan3A_217) -> (i32)  : i32 {
      %mul3A_352 = arith.constant 256 : i32
      %mul3A_353 = arith.muli %scan3A_350, %mul3A_352 : i32
      %add3A_354 = arith.addi %mul3A_353, %mul3A_2 : i32
      %get3A = arith.index_cast %add3A_354 : i32 to index
      %get3A_355 = tpu.vector_load %arg6[%get3A] {strides = array<i32>} : memref<8192xf32, #tpu.memory_space<vmem>>, vector<16xf32>,
      %slice3A = vector.extract_strided_slice %get3A_355 {offsets = [0], sizes = [1], strides = [1]} : vector<16xf32> to vector<1xf32>
      %squeeze3A = vector.extract %slice3A[0] : f32 from vector<1xf32>
      %broadcast_in_dim3A = vector.broadcast %squeeze3A : f32 to vector<16xf32>
      %mul3A_356 = arith.constant 32 : i32
      %mul3A_357 = arith.muli %scan3A_350, %mul3A_356 : i32
      %add3A_358 = arith.constant 8192 : i32
      %add3A_359 = arith.addi %add3A_358, %mul3A_357 : i32
      %add3A_360 = arith.constant 0 : i32
      %add3A_361 = arith.addi %add3A_359, %add3A_360 : i32
      %swap3A = arith.index_cast %add3A_361 : i32 to index
      %swap3A_362 = tpu.vector_load %arg7[%swap3A] {strides = array<i32>} : memref<16384xf32, #tpu.memory_space<vmem>>, vector<16xf32>,
      tpu.vector_store %arg7[%swap3A], %broadcast_in_dim3A {strides = array<i32>} : memref<16384xf32, #tpu.memory_space<vmem>>, vector<16xf32>,
      %mul3A_363 = arith.constant 32 : i32
      %mul3A_364 = arith.muli %scan3A_350, %mul3A_363 : i32
      %add3A_365 = arith.constant 8192 : i32
      %add3A_366 = arith.addi %add3A_365, %mul3A_364 : i32
      %add3A_367 = arith.constant 16 : i32
      %add3A_368 = arith.addi %add3A_366, %add3A_367 : i32
      %swap3A_369 = arith.index_cast %add3A_368 : i32 to index
      %swap3A_370 = tpu.vector_load %arg7[%swap3A_369] {strides = array<i32>} : memref<16384xf32, #tpu.memory_space<vmem>>, vector<16xf32>,
      tpu.vector_store %arg7[%swap3A_369], %broadcast_in_dim3A {strides = array<i32>} : memref<16384xf32, #tpu.memory_space<vmem>>, vector<16xf32>,
      %slice3A_371 = vector.extract_strided_slice %get3A_355 {offsets = [1], sizes = [1], strides = [1]} : vector<16xf32> to vector<1xf32>
      %squeeze3A_372 = vector.extract %slice3A_371[0] : f32 from vector<1xf32>
      %broadcast_in_dim3A_373 = vector.broadcast %squeeze3A_372 : f32 to vector<16xf32>
      %mul3A_374 = arith.constant 32 : i32
      %mul3A_375 = arith.muli %scan3A_350, %mul3A_374 : i32
      %add3A_376 = arith.constant 9216 : i32
      %add3A_377 = arith.addi %add3A_376, %mul3A_375 : i32
      %add3A_378 = arith.constant 0 : i32
      %add3A_379 = arith.addi %add3A_377, %add3A_378 : i32
      %swap3A_380 = arith.index_cast %add3A_379 : i32 to index
      %swap3A_381 = tpu.vector_load %arg7[%swap3A_380] {strides = array<i32>} : memref<16384xf32, #tpu.memory_space<vmem>>, vector<16xf32>,
      tpu.vector_store %arg7[%swap3A_380], %broadcast_in_dim3A_373 {strides = array<i32>} : memref<16384xf32, #tpu.memory_space<vmem>>, vector<16xf32>,
      %mul3A_382 = arith.constant 32 : i32
      %mul3A_383 = arith.muli %scan3A_350, %mul3A_382 : i32
      %add3A_384 = arith.constant 9216 : i32
      %add3A_385 = arith.addi %add3A_384, %mul3A_383 : i32
      %add3A_386 = arith.constant 16 : i32
      %add3A_387 = arith.addi %add3A_385, %add3A_386 : i32
      %swap3A_388 = arith.index_cast %add3A_387 : i32 to index
      %swap3A_389 = tpu.vector_load %arg7[%swap3A_388] {strides = array<i32>} : memref<16384xf32, #tpu.memory_space<vmem>>, vector<16xf32>,
      tpu.vector_store %arg7[%swap3A_388], %broadcast_in_dim3A_373 {strides = array<i32>} : memref<16384xf32, #tpu.memory_space<vmem>>, vector<16xf32>,
      %slice3A_390 = vector.extract_strided_slice %get3A_355 {offsets = [2], sizes = [1], strides = [1]} : vector<16xf32> to vector<1xf32>
      %squeeze3A_391 = vector.extract %slice3A_390[0] : f32 from vector<1xf32>
      %broadcast_in_dim3A_392 = vector.broadcast %squeeze3A_391 : f32 to vector<16xf32>
      %mul3A_393 = arith.constant 32 : i32
      %mul3A_394 = arith.muli %scan3A_350, %mul3A_393 : i32
      %add3A_395 = arith.constant 10240 : i32
      %add3A_396 = arith.addi %add3A_395, %mul3A_394 : i32
      %add3A_397 = arith.constant 0 : i32
      %add3A_398 = arith.addi %add3A_396, %add3A_397 : i32
      %swap3A_399 = arith.index_cast %add3A_398 : i32 to index
      %swap3A_400 = tpu.vector_load %arg7[%swap3A_399] {strides = array<i32>} : memref<16384xf32, #tpu.memory_space<vmem>>, vector<16xf32>,
      tpu.vector_store %arg7[%swap3A_399], %broadcast_in_dim3A_392 {strides = array<i32>} : memref<16384xf32, #tpu.memory_space<vmem>>, vector<16xf32>,
      %mul3A_401 = arith.constant 32 : i32
      %mul3A_402 = arith.muli %scan3A_350, %mul3A_401 : i32
      %add3A_403 = arith.constant 10240 : i32
      %add3A_404 = arith.addi %add3A_403, %mul3A_402 : i32
      %add3A_405 = arith.constant 16 : i32
      %add3A_406 = arith.addi %add3A_404, %add3A_405 : i32
      %swap3A_407 = arith.index_cast %add3A_406 : i32 to index
      %swap3A_408 = tpu.vector_load %arg7[%swap3A_407] {strides = array<i32>} : memref<16384xf32, #tpu.memory_space<vmem>>, vector<16xf32>,
      tpu.vector_store %arg7[%swap3A_407], %broadcast_in_dim3A_392 {strides = array<i32>} : memref<16384xf32, #tpu.memory_space<vmem>>, vector<16xf32>,
      %slice3A_409 = vector.extract_strided_slice %get3A_355 {offsets = [3], sizes = [1], strides = [1]} : vector<16xf32> to vector<1xf32>
      %squeeze3A_410 = vector.extract %slice3A_409[0] : f32 from vector<1xf32>
      %broadcast_in_dim3A_411 = vector.broadcast %squeeze3A_410 : f32 to vector<16xf32>
      %mul3A_412 = arith.constant 32 : i32
      %mul3A_413 = arith.muli %scan3A_350, %mul3A_412 : i32
      %add3A_414 = arith.constant 11264 : i32
      %add3A_415 = arith.addi %add3A_414, %mul3A_413 : i32
      %add3A_416 = arith.constant 0 : i32
      %add3A_417 = arith.addi %add3A_415, %add3A_416 : i32
      %swap3A_418 = arith.index_cast %add3A_417 : i32 to index
      %swap3A_419 = tpu.vector_load %arg7[%swap3A_418] {strides = array<i32>} : memref<16384xf32, #tpu.memory_space<vmem>>, vector<16xf32>,
      tpu.vector_store %arg7[%swap3A_418], %broadcast_in_dim3A_411 {strides = array<i32>} : memref<16384xf32, #tpu.memory_space<vmem>>, vector<16xf32>,
      %mul3A_420 = arith.constant 32 : i32
      %mul3A_421 = arith.muli %scan3A_350, %mul3A_420 : i32
      %add3A_422 = arith.constant 11264 : i32
      %add3A_423 = arith.addi %add3A_422, %mul3A_421 : i32
      %add3A_424 = arith.constant 16 : i32
      %add3A_425 = arith.addi %add3A_423, %add3A_424 : i32
      %swap3A_426 = arith.index_cast %add3A_425 : i32 to index
      %swap3A_427 = tpu.vector_load %arg7[%swap3A_426] {strides = array<i32>} : memref<16384xf32, #tpu.memory_space<vmem>>, vector<16xf32>,
      tpu.vector_store %arg7[%swap3A_426], %broadcast_in_dim3A_411 {strides = array<i32>} : memref<16384xf32, #tpu.memory_space<vmem>>, vector<16xf32>,
      %slice3A_428 = vector.extract_strided_slice %get3A_355 {offsets = [4], sizes = [1], strides = [1]} : vector<16xf32> to vector<1xf32>
      %squeeze3A_429 = vector.extract %slice3A_428[0] : f32 from vector<1xf32>
      %broadcast_in_dim3A_430 = vector.broadcast %squeeze3A_429 : f32 to vector<16xf32>
      %mul3A_431 = arith.constant 32 : i32
      %mul3A_432 = arith.muli %scan3A_350, %mul3A_431 : i32
      %add3A_433 = arith.constant 12288 : i32
      %add3A_434 = arith.addi %add3A_433, %mul3A_432 : i32
      %add3A_435 = arith.constant 0 : i32
      %add3A_436 = arith.addi %add3A_434, %add3A_435 : i32
      %swap3A_437 = arith.index_cast %add3A_436 : i32 to index
      %swap3A_438 = tpu.vector_load %arg7[%swap3A_437] {strides = array<i32>} : memref<16384xf32, #tpu.memory_space<vmem>>, vector<16xf32>,
      tpu.vector_store %arg7[%swap3A_437], %broadcast_in_dim3A_430 {strides = array<i32>} : memref<16384xf32, #tpu.memory_space<vmem>>, vector<16xf32>,
      %mul3A_439 = arith.constant 32 : i32
      %mul3A_440 = arith.muli %scan3A_350, %mul3A_439 : i32
      %add3A_441 = arith.constant 12288 : i32
      %add3A_442 = arith.addi %add3A_441, %mul3A_440 : i32
      %add3A_443 = arith.constant 16 : i32
      %add3A_444 = arith.addi %add3A_442, %add3A_443 : i32
      %swap3A_445 = arith.index_cast %add3A_444 : i32 to index
      %swap3A_446 = tpu.vector_load %arg7[%swap3A_445] {strides = array<i32>} : memref<16384xf32, #tpu.memory_space<vmem>>, vector<16xf32>,
      tpu.vector_store %arg7[%swap3A_445], %broadcast_in_dim3A_430 {strides = array<i32>} : memref<16384xf32, #tpu.memory_space<vmem>>, vector<16xf32>,
      %slice3A_447 = vector.extract_strided_slice %get3A_355 {offsets = [5], sizes = [1], strides = [1]} : vector<16xf32> to vector<1xf32>
      %squeeze3A_448 = vector.extract %slice3A_447[0] : f32 from vector<1xf32>
      %broadcast_in_dim3A_449 = vector.broadcast %squeeze3A_448 : f32 to vector<16xf32>
      %mul3A_450 = arith.constant 32 : i32
      %mul3A_451 = arith.muli %scan3A_350, %mul3A_450 : i32
      %add3A_452 = arith.constant 13312 : i32
      %add3A_453 = arith.addi %add3A_452, %mul3A_451 : i32
      %add3A_454 = arith.constant 0 : i32
      %add3A_455 = arith.addi %add3A_453, %add3A_454 : i32
      %swap3A_456 = arith.index_cast %add3A_455 : i32 to index
      %swap3A_457 = tpu.vector_load %arg7[%swap3A_456] {strides = array<i32>} : memref<16384xf32, #tpu.memory_space<vmem>>, vector<16xf32>,
      tpu.vector_store %arg7[%swap3A_456], %broadcast_in_dim3A_449 {strides = array<i32>} : memref<16384xf32, #tpu.memory_space<vmem>>, vector<16xf32>,
      %mul3A_458 = arith.constant 32 : i32
      %mul3A_459 = arith.muli %scan3A_350, %mul3A_458 : i32
      %add3A_460 = arith.constant 13312 : i32
      %add3A_461 = arith.addi %add3A_460, %mul3A_459 : i32
      %add3A_462 = arith.constant 16 : i32
      %add3A_463 = arith.addi %add3A_461, %add3A_462 : i32
      %swap3A_464 = arith.index_cast %add3A_463 : i32 to index
      %swap3A_465 = tpu.vector_load %arg7[%swap3A_464] {strides = array<i32>} : memref<16384xf32, #tpu.memory_space<vmem>>, vector<16xf32>,
      tpu.vector_store %arg7[%swap3A_464], %broadcast_in_dim3A_449 {strides = array<i32>} : memref<16384xf32, #tpu.memory_space<vmem>>, vector<16xf32>,
      %slice3A_466 = vector.extract_strided_slice %get3A_355 {offsets = [6], sizes = [1], strides = [1]} : vector<16xf32> to vector<1xf32>
      %squeeze3A_467 = vector.extract %slice3A_466[0] : f32 from vector<1xf32>
      %broadcast_in_dim3A_468 = vector.broadcast %squeeze3A_467 : f32 to vector<16xf32>
      %mul3A_469 = arith.constant 32 : i32
      %mul3A_470 = arith.muli %scan3A_350, %mul3A_469 : i32
      %add3A_471 = arith.constant 14336 : i32
      %add3A_472 = arith.addi %add3A_471, %mul3A_470 : i32
      %add3A_473 = arith.constant 0 : i32
      %add3A_474 = arith.addi %add3A_472, %add3A_473 : i32
      %swap3A_475 = arith.index_cast %add3A_474 : i32 to index
      %swap3A_476 = tpu.vector_load %arg7[%swap3A_475] {strides = array<i32>} : memref<16384xf32, #tpu.memory_space<vmem>>, vector<16xf32>,
      tpu.vector_store %arg7[%swap3A_475], %broadcast_in_dim3A_468 {strides = array<i32>} : memref<16384xf32, #tpu.memory_space<vmem>>, vector<16xf32>,
      %mul3A_477 = arith.constant 32 : i32
      %mul3A_478 = arith.muli %scan3A_350, %mul3A_477 : i32
      %add3A_479 = arith.constant 14336 : i32
      %add3A_480 = arith.addi %add3A_479, %mul3A_478 : i32
      %add3A_481 = arith.constant 16 : i32
      %add3A_482 = arith.addi %add3A_480, %add3A_481 : i32
      %swap3A_483 = arith.index_cast %add3A_482 : i32 to index
      %swap3A_484 = tpu.vector_load %arg7[%swap3A_483] {strides = array<i32>} : memref<16384xf32, #tpu.memory_space<vmem>>, vector<16xf32>,
      tpu.vector_store %arg7[%swap3A_483], %broadcast_in_dim3A_468 {strides = array<i32>} : memref<16384xf32, #tpu.memory_space<vmem>>, vector<16xf32>,
      %slice3A_485 = vector.extract_strided_slice %get3A_355 {offsets = [7], sizes = [1], strides = [1]} : vector<16xf32> to vector<1xf32>
      %squeeze3A_486 = vector.extract %slice3A_485[0] : f32 from vector<1xf32>
      %broadcast_in_dim3A_487 = vector.broadcast %squeeze3A_486 : f32 to vector<16xf32>
      %mul3A_488 = arith.constant 32 : i32
      %mul3A_489 = arith.muli %scan3A_350, %mul3A_488 : i32
      %add3A_490 = arith.constant 15360 : i32
      %add3A_491 = arith.addi %add3A_490, %mul3A_489 : i32
      %add3A_492 = arith.constant 0 : i32
      %add3A_493 = arith.addi %add3A_491, %add3A_492 : i32
      %swap3A_494 = arith.index_cast %add3A_493 : i32 to index
      %swap3A_495 = tpu.vector_load %arg7[%swap3A_494] {strides = array<i32>} : memref<16384xf32, #tpu.memory_space<vmem>>, vector<16xf32>,
      tpu.vector_store %arg7[%swap3A_494], %broadcast_in_dim3A_487 {strides = array<i32>} : memref<16384xf32, #tpu.memory_space<vmem>>, vector<16xf32>,
      %mul3A_496 = arith.constant 32 : i32
      %mul3A_497 = arith.muli %scan3A_350, %mul3A_496 : i32
      %add3A_498 = arith.constant 15360 : i32
      %add3A_499 = arith.addi %add3A_498, %mul3A_497 : i32
      %add3A_500 = arith.constant 16 : i32
      %add3A_501 = arith.addi %add3A_499, %add3A_500 : i32
      %swap3A_502 = arith.index_cast %add3A_501 : i32 to index
      %swap3A_503 = tpu.vector_load %arg7[%swap3A_502] {strides = array<i32>} : memref<16384xf32, #tpu.memory_space<vmem>>, vector<16xf32>,
      tpu.vector_store %arg7[%swap3A_502], %broadcast_in_dim3A_487 {strides = array<i32>} : memref<16384xf32, #tpu.memory_space<vmem>>, vector<16xf32>,
      %scan3A_504 = arith.constant 0 : i32
      scf.yield %scan3A_504 : i32
    }
    %scan3A_223 = arith.constant 32 : i32
    %add3A_224 = arith.constant 0 : i32
    %add3A_225 = arith.addi %add3A_224, %mul3A_2 : i32
    %mul3A_226 = arith.constant 1024 : i32
    %mul3A_227 = arith.muli %add3A_225, %mul3A_226 : i32
    %dma_start3A = arith.constant 0 : i32
    %dma_start3A_228 = tpu.memref_slice %arg7[%dma_start3A] : memref<16384xf32, #tpu.memory_space<vmem>> -> memref<8192xf32, #tpu.memory_space<vmem>>
    %dma_start3A_229 = tpu.memref_slice %arg4[%mul3A_227] : memref<2097152xf32, #tpu.memory_space<hbm>> -> memref<8192xf32, #tpu.memory_space<hbm>>
    %dma_start3A_230 = tpu.memref_slice %arg4[%mul3A_227] : memref<2097152xf32, #tpu.memory_space<hbm>> -> memref<8192xf32, #tpu.memory_space<hbm>>
    %dma_start3A_231 = arith.constant 0 : i32
    %dma_start3A_232 = tpu.memref_slice %arg7[%dma_start3A_231] : memref<16384xf32, #tpu.memory_space<vmem>> -> memref<8192xf32, #tpu.memory_space<vmem>>
    tpu.enqueue_dma source(%dma_start3A_232 : memref<8192xf32, #tpu.memory_space<vmem>>) target(%dma_start3A_230 : memref<8192xf32, #tpu.memory_space<hbm>>) target_semaphore(%arg8 : memref<!tpu.dma_semaphore, #tpu.memory_space<semaphore_mem>>)
    %add3A_233 = arith.constant 256 : i32
    %add3A_234 = arith.addi %add3A_233, %mul3A_2 : i32
    %mul3A_235 = arith.constant 1024 : i32
    %mul3A_236 = arith.muli %add3A_234, %mul3A_235 : i32
    %dma_start3A_237 = arith.constant 8192 : i32
    %dma_start3A_238 = tpu.memref_slice %arg7[%dma_start3A_237] : memref<16384xf32, #tpu.memory_space<vmem>> -> memref<8192xf32, #tpu.memory_space<vmem>>
    %dma_start3A_239 = tpu.memref_slice %arg4[%mul3A_236] : memref<2097152xf32, #tpu.memory_space<hbm>> -> memref<8192xf32, #tpu.memory_space<hbm>>
    %dma_start3A_240 = tpu.memref_slice %arg4[%mul3A_236] : memref<2097152xf32, #tpu.memory_space<hbm>> -> memref<8192xf32, #tpu.memory_space<hbm>>
    %dma_start3A_241 = arith.constant 8192 : i32
    %dma_start3A_242 = tpu.memref_slice %arg7[%dma_start3A_241] : memref<16384xf32, #tpu.memory_space<vmem>> -> memref<8192xf32, #tpu.memory_space<vmem>>
    tpu.enqueue_dma source(%dma_start3A_242 : memref<8192xf32, #tpu.memory_space<vmem>>) target(%dma_start3A_240 : memref<8192xf32, #tpu.memory_space<hbm>>) target_semaphore(%arg8 : memref<!tpu.dma_semaphore, #tpu.memory_space<semaphore_mem>>)
    %add3A_243 = arith.constant 512 : i32
    %add3A_244 = arith.addi %add3A_243, %mul3A_2 : i32
    %mul3A_245 = arith.constant 1024 : i32
    %mul3A_246 = arith.muli %add3A_244, %mul3A_245 : i32
    %dma_start3A_247 = arith.constant 0 : i32
    %dma_start3A_248 = tpu.memref_slice %arg7[%dma_start3A_247] : memref<16384xf32, #tpu.memory_space<vmem>> -> memref<8192xf32, #tpu.memory_space<vmem>>
    %dma_start3A_249 = tpu.memref_slice %arg4[%mul3A_246] : memref<2097152xf32, #tpu.memory_space<hbm>> -> memref<8192xf32, #tpu.memory_space<hbm>>
    %dma_start3A_250 = tpu.memref_slice %arg4[%mul3A_246] : memref<2097152xf32, #tpu.memory_space<hbm>> -> memref<8192xf32, #tpu.memory_space<hbm>>
    %dma_start3A_251 = arith.constant 0 : i32
    %dma_start3A_252 = tpu.memref_slice %arg7[%dma_start3A_251] : memref<16384xf32, #tpu.memory_space<vmem>> -> memref<8192xf32, #tpu.memory_space<vmem>>
    tpu.enqueue_dma source(%dma_start3A_252 : memref<8192xf32, #tpu.memory_space<vmem>>) target(%dma_start3A_250 : memref<8192xf32, #tpu.memory_space<hbm>>) target_semaphore(%arg8 : memref<!tpu.dma_semaphore, #tpu.memory_space<semaphore_mem>>)
    %add3A_253 = arith.constant 768 : i32
    %add3A_254 = arith.addi %add3A_253, %mul3A_2 : i32
    %mul3A_255 = arith.constant 1024 : i32
    %mul3A_256 = arith.muli %add3A_254, %mul3A_255 : i32
    %dma_start3A_257 = arith.constant 8192 : i32
    %dma_start3A_258 = tpu.memref_slice %arg7[%dma_start3A_257] : memref<16384xf32, #tpu.memory_space<vmem>> -> memref<8192xf32, #tpu.memory_space<vmem>>
    %dma_start3A_259 = tpu.memref_slice %arg4[%mul3A_256] : memref<2097152xf32, #tpu.memory_space<hbm>> -> memref<8192xf32, #tpu.memory_space<hbm>>
    %dma_start3A_260 = tpu.memref_slice %arg4[%mul3A_256] : memref<2097152xf32, #tpu.memory_space<hbm>> -> memref<8192xf32, #tpu.memory_space<hbm>>
    %dma_start3A_261 = arith.constant 8192 : i32
    %dma_start3A_262 = tpu.memref_slice %arg7[%dma_start3A_261] : memref<16384xf32, #tpu.memory_space<vmem>> -> memref<8192xf32, #tpu.memory_space<vmem>>
    tpu.enqueue_dma source(%dma_start3A_262 : memref<8192xf32, #tpu.memory_space<vmem>>) target(%dma_start3A_260 : memref<8192xf32, #tpu.memory_space<hbm>>) target_semaphore(%arg8 : memref<!tpu.dma_semaphore, #tpu.memory_space<semaphore_mem>>)
    %add3A_263 = arith.constant 1024 : i32
    %add3A_264 = arith.addi %add3A_263, %mul3A_2 : i32
    %mul3A_265 = arith.constant 1024 : i32
    %mul3A_266 = arith.muli %add3A_264, %mul3A_265 : i32
    %dma_start3A_267 = arith.constant 0 : i32
    %dma_start3A_268 = tpu.memref_slice %arg7[%dma_start3A_267] : memref<16384xf32, #tpu.memory_space<vmem>> -> memref<8192xf32, #tpu.memory_space<vmem>>
    %dma_start3A_269 = tpu.memref_slice %arg4[%mul3A_266] : memref<2097152xf32, #tpu.memory_space<hbm>> -> memref<8192xf32, #tpu.memory_space<hbm>>
    %dma_start3A_270 = tpu.memref_slice %arg4[%mul3A_266] : memref<2097152xf32, #tpu.memory_space<hbm>> -> memref<8192xf32, #tpu.memory_space<hbm>>
    %dma_start3A_271 = arith.constant 0 : i32
    %dma_start3A_272 = tpu.memref_slice %arg7[%dma_start3A_271] : memref<16384xf32, #tpu.memory_space<vmem>> -> memref<8192xf32, #tpu.memory_space<vmem>>
    tpu.enqueue_dma source(%dma_start3A_272 : memref<8192xf32, #tpu.memory_space<vmem>>) target(%dma_start3A_270 : memref<8192xf32, #tpu.memory_space<hbm>>) target_semaphore(%arg8 : memref<!tpu.dma_semaphore, #tpu.memory_space<semaphore_mem>>)
    %add3A_273 = arith.constant 1280 : i32
    %add3A_274 = arith.addi %add3A_273, %mul3A_2 : i32
    %mul3A_275 = arith.constant 1024 : i32
    %mul3A_276 = arith.muli %add3A_274, %mul3A_275 : i32
    %dma_start3A_277 = arith.constant 8192 : i32
    %dma_start3A_278 = tpu.memref_slice %arg7[%dma_start3A_277] : memref<16384xf32, #tpu.memory_space<vmem>> -> memref<8192xf32, #tpu.memory_space<vmem>>
    %dma_start3A_279 = tpu.memref_slice %arg4[%mul3A_276] : memref<2097152xf32, #tpu.memory_space<hbm>> -> memref<8192xf32, #tpu.memory_space<hbm>>
    %dma_start3A_280 = tpu.memref_slice %arg4[%mul3A_276] : memref<2097152xf32, #tpu.memory_space<hbm>> -> memref<8192xf32, #tpu.memory_space<hbm>>
    %dma_start3A_281 = arith.constant 8192 : i32
    %dma_start3A_282 = tpu.memref_slice %arg7[%dma_start3A_281] : memref<16384xf32, #tpu.memory_space<vmem>> -> memref<8192xf32, #tpu.memory_space<vmem>>
    tpu.enqueue_dma source(%dma_start3A_282 : memref<8192xf32, #tpu.memory_space<vmem>>) target(%dma_start3A_280 : memref<8192xf32, #tpu.memory_space<hbm>>) target_semaphore(%arg8 : memref<!tpu.dma_semaphore, #tpu.memory_space<semaphore_mem>>)
    %add3A_283 = arith.constant 1536 : i32
    %add3A_284 = arith.addi %add3A_283, %mul3A_2 : i32
    %mul3A_285 = arith.constant 1024 : i32
    %mul3A_286 = arith.muli %add3A_284, %mul3A_285 : i32
    %dma_start3A_287 = arith.constant 0 : i32
    %dma_start3A_288 = tpu.memref_slice %arg7[%dma_start3A_287] : memref<16384xf32, #tpu.memory_space<vmem>> -> memref<8192xf32, #tpu.memory_space<vmem>>
    %dma_start3A_289 = tpu.memref_slice %arg4[%mul3A_286] : memref<2097152xf32, #tpu.memory_space<hbm>> -> memref<8192xf32, #tpu.memory_space<hbm>>
    %dma_start3A_290 = tpu.memref_slice %arg4[%mul3A_286] : memref<2097152xf32, #tpu.memory_space<hbm>> -> memref<8192xf32, #tpu.memory_space<hbm>>
    %dma_start3A_291 = arith.constant 0 : i32
    %dma_start3A_292 = tpu.memref_slice %arg7[%dma_start3A_291] : memref<16384xf32, #tpu.memory_space<vmem>> -> memref<8192xf32, #tpu.memory_space<vmem>>
    tpu.enqueue_dma source(%dma_start3A_292 : memref<8192xf32, #tpu.memory_space<vmem>>) target(%dma_start3A_290 : memref<8192xf32, #tpu.memory_space<hbm>>) target_semaphore(%arg8 : memref<!tpu.dma_semaphore, #tpu.memory_space<semaphore_mem>>)
    %add3A_293 = arith.constant 1792 : i32
    %add3A_294 = arith.addi %add3A_293, %mul3A_2 : i32
    %mul3A_295 = arith.constant 1024 : i32
    %mul3A_296 = arith.muli %add3A_294, %mul3A_295 : i32
    %dma_start3A_297 = arith.constant 8192 : i32
    %dma_start3A_298 = tpu.memref_slice %arg7[%dma_start3A_297] : memref<16384xf32, #tpu.memory_space<vmem>> -> memref<8192xf32, #tpu.memory_space<vmem>>
    %dma_start3A_299 = tpu.memref_slice %arg4[%mul3A_296] : memref<2097152xf32, #tpu.memory_space<hbm>> -> memref<8192xf32, #tpu.memory_space<hbm>>
    %dma_start3A_300 = tpu.memref_slice %arg4[%mul3A_296] : memref<2097152xf32, #tpu.memory_space<hbm>> -> memref<8192xf32, #tpu.memory_space<hbm>>
    %dma_start3A_301 = arith.constant 8192 : i32
    %dma_start3A_302 = tpu.memref_slice %arg7[%dma_start3A_301] : memref<16384xf32, #tpu.memory_space<vmem>> -> memref<8192xf32, #tpu.memory_space<vmem>>
    tpu.enqueue_dma source(%dma_start3A_302 : memref<8192xf32, #tpu.memory_space<vmem>>) target(%dma_start3A_300 : memref<8192xf32, #tpu.memory_space<hbm>>) target_semaphore(%arg8 : memref<!tpu.dma_semaphore, #tpu.memory_space<semaphore_mem>>)
    %dma_wait3A = arith.constant 0 : i32
    %dma_wait3A_303 = tpu.memref_slice %arg7[%dma_wait3A] : memref<16384xf32, #tpu.memory_space<vmem>> -> memref<8192xf32, #tpu.memory_space<vmem>>
    %dma_wait3A_304 = tpu.memref_slice %arg4[%mul3A_227] : memref<2097152xf32, #tpu.memory_space<hbm>> -> memref<8192xf32, #tpu.memory_space<hbm>>
    %dma_wait3A_305 = tpu.memref_slice %arg4[%mul3A_227] : memref<2097152xf32, #tpu.memory_space<hbm>> -> memref<8192xf32, #tpu.memory_space<hbm>>
    %dma_wait3A_306 = arith.constant 0 : i32
    %dma_wait3A_307 = tpu.memref_slice %arg7[%dma_wait3A_306] : memref<16384xf32, #tpu.memory_space<vmem>> -> memref<8192xf32, #tpu.memory_space<vmem>>
    tpu.wait_dma2 semaphore(%arg8 : memref<!tpu.dma_semaphore, #tpu.memory_space<semaphore_mem>>) src(%dma_wait3A_307 : memref<8192xf32, #tpu.memory_space<vmem>>) dst(%dma_wait3A_305 : memref<8192xf32, #tpu.memory_space<hbm>>)
    %dma_wait3A_308 = arith.constant 8192 : i32
    %dma_wait3A_309 = tpu.memref_slice %arg7[%dma_wait3A_308] : memref<16384xf32, #tpu.memory_space<vmem>> -> memref<8192xf32, #tpu.memory_space<vmem>>
    %dma_wait3A_310 = tpu.memref_slice %arg4[%mul3A_236] : memref<2097152xf32, #tpu.memory_space<hbm>> -> memref<8192xf32, #tpu.memory_space<hbm>>
    %dma_wait3A_311 = tpu.memref_slice %arg4[%mul3A_236] : memref<2097152xf32, #tpu.memory_space<hbm>> -> memref<8192xf32, #tpu.memory_space<hbm>>
    %dma_wait3A_312 = arith.constant 8192 : i32
    %dma_wait3A_313 = tpu.memref_slice %arg7[%dma_wait3A_312] : memref<16384xf32, #tpu.memory_space<vmem>> -> memref<8192xf32, #tpu.memory_space<vmem>>
    tpu.wait_dma2 semaphore(%arg8 : memref<!tpu.dma_semaphore, #tpu.memory_space<semaphore_mem>>) src(%dma_wait3A_313 : memref<8192xf32, #tpu.memory_space<vmem>>) dst(%dma_wait3A_311 : memref<8192xf32, #tpu.memory_space<hbm>>)
    %dma_wait3A_314 = arith.constant 0 : i32
    %dma_wait3A_315 = tpu.memref_slice %arg7[%dma_wait3A_314] : memref<16384xf32, #tpu.memory_space<vmem>> -> memref<8192xf32, #tpu.memory_space<vmem>>
    %dma_wait3A_316 = tpu.memref_slice %arg4[%mul3A_246] : memref<2097152xf32, #tpu.memory_space<hbm>> -> memref<8192xf32, #tpu.memory_space<hbm>>
    %dma_wait3A_317 = tpu.memref_slice %arg4[%mul3A_246] : memref<2097152xf32, #tpu.memory_space<hbm>> -> memref<8192xf32, #tpu.memory_space<hbm>>
    %dma_wait3A_318 = arith.constant 0 : i32
    %dma_wait3A_319 = tpu.memref_slice %arg7[%dma_wait3A_318] : memref<16384xf32, #tpu.memory_space<vmem>> -> memref<8192xf32, #tpu.memory_space<vmem>>
    tpu.wait_dma2 semaphore(%arg8 : memref<!tpu.dma_semaphore, #tpu.memory_space<semaphore_mem>>) src(%dma_wait3A_319 : memref<8192xf32, #tpu.memory_space<vmem>>) dst(%dma_wait3A_317 : memref<8192xf32, #tpu.memory_space<hbm>>)
    %dma_wait3A_320 = arith.constant 8192 : i32
    %dma_wait3A_321 = tpu.memref_slice %arg7[%dma_wait3A_320] : memref<16384xf32, #tpu.memory_space<vmem>> -> memref<8192xf32, #tpu.memory_space<vmem>>
    %dma_wait3A_322 = tpu.memref_slice %arg4[%mul3A_256] : memref<2097152xf32, #tpu.memory_space<hbm>> -> memref<8192xf32, #tpu.memory_space<hbm>>
    %dma_wait3A_323 = tpu.memref_slice %arg4[%mul3A_256] : memref<2097152xf32, #tpu.memory_space<hbm>> -> memref<8192xf32, #tpu.memory_space<hbm>>
    %dma_wait3A_324 = arith.constant 8192 : i32
    %dma_wait3A_325 = tpu.memref_slice %arg7[%dma_wait3A_324] : memref<16384xf32, #tpu.memory_space<vmem>> -> memref<8192xf32, #tpu.memory_space<vmem>>
    tpu.wait_dma2 semaphore(%arg8 : memref<!tpu.dma_semaphore, #tpu.memory_space<semaphore_mem>>) src(%dma_wait3A_325 : memref<8192xf32, #tpu.memory_space<vmem>>) dst(%dma_wait3A_323 : memref<8192xf32, #tpu.memory_space<hbm>>)
    %dma_wait3A_326 = arith.constant 0 : i32
    %dma_wait3A_327 = tpu.memref_slice %arg7[%dma_wait3A_326] : memref<16384xf32, #tpu.memory_space<vmem>> -> memref<8192xf32, #tpu.memory_space<vmem>>
    %dma_wait3A_328 = tpu.memref_slice %arg4[%mul3A_266] : memref<2097152xf32, #tpu.memory_space<hbm>> -> memref<8192xf32, #tpu.memory_space<hbm>>
    %dma_wait3A_329 = tpu.memref_slice %arg4[%mul3A_266] : memref<2097152xf32, #tpu.memory_space<hbm>> -> memref<8192xf32, #tpu.memory_space<hbm>>
    %dma_wait3A_330 = arith.constant 0 : i32
    %dma_wait3A_331 = tpu.memref_slice %arg7[%dma_wait3A_330] : memref<16384xf32, #tpu.memory_space<vmem>> -> memref<8192xf32, #tpu.memory_space<vmem>>
    tpu.wait_dma2 semaphore(%arg8 : memref<!tpu.dma_semaphore, #tpu.memory_space<semaphore_mem>>) src(%dma_wait3A_331 : memref<8192xf32, #tpu.memory_space<vmem>>) dst(%dma_wait3A_329 : memref<8192xf32, #tpu.memory_space<hbm>>)
    %dma_wait3A_332 = arith.constant 8192 : i32
    %dma_wait3A_333 = tpu.memref_slice %arg7[%dma_wait3A_332] : memref<16384xf32, #tpu.memory_space<vmem>> -> memref<8192xf32, #tpu.memory_space<vmem>>
    %dma_wait3A_334 = tpu.memref_slice %arg4[%mul3A_276] : memref<2097152xf32, #tpu.memory_space<hbm>> -> memref<8192xf32, #tpu.memory_space<hbm>>
    %dma_wait3A_335 = tpu.memref_slice %arg4[%mul3A_276] : memref<2097152xf32, #tpu.memory_space<hbm>> -> memref<8192xf32, #tpu.memory_space<hbm>>
    %dma_wait3A_336 = arith.constant 8192 : i32
    %dma_wait3A_337 = tpu.memref_slice %arg7[%dma_wait3A_336] : memref<16384xf32, #tpu.memory_space<vmem>> -> memref<8192xf32, #tpu.memory_space<vmem>>
    tpu.wait_dma2 semaphore(%arg8 : memref<!tpu.dma_semaphore, #tpu.memory_space<semaphore_mem>>) src(%dma_wait3A_337 : memref<8192xf32, #tpu.memory_space<vmem>>) dst(%dma_wait3A_335 : memref<8192xf32, #tpu.memory_space<hbm>>)
    %dma_wait3A_338 = arith.constant 0 : i32
    %dma_wait3A_339 = tpu.memref_slice %arg7[%dma_wait3A_338] : memref<16384xf32, #tpu.memory_space<vmem>> -> memref<8192xf32, #tpu.memory_space<vmem>>
    %dma_wait3A_340 = tpu.memref_slice %arg4[%mul3A_286] : memref<2097152xf32, #tpu.memory_space<hbm>> -> memref<8192xf32, #tpu.memory_space<hbm>>
    %dma_wait3A_341 = tpu.memref_slice %arg4[%mul3A_286] : memref<2097152xf32, #tpu.memory_space<hbm>> -> memref<8192xf32, #tpu.memory_space<hbm>>
    %dma_wait3A_342 = arith.constant 0 : i32
    %dma_wait3A_343 = tpu.memref_slice %arg7[%dma_wait3A_342] : memref<16384xf32, #tpu.memory_space<vmem>> -> memref<8192xf32, #tpu.memory_space<vmem>>
    tpu.wait_dma2 semaphore(%arg8 : memref<!tpu.dma_semaphore, #tpu.memory_space<semaphore_mem>>) src(%dma_wait3A_343 : memref<8192xf32, #tpu.memory_space<vmem>>) dst(%dma_wait3A_341 : memref<8192xf32, #tpu.memory_space<hbm>>)
    %dma_wait3A_344 = arith.constant 8192 : i32
    %dma_wait3A_345 = tpu.memref_slice %arg7[%dma_wait3A_344] : memref<16384xf32, #tpu.memory_space<vmem>> -> memref<8192xf32, #tpu.memory_space<vmem>>
    %dma_wait3A_346 = tpu.memref_slice %arg4[%mul3A_296] : memref<2097152xf32, #tpu.memory_space<hbm>> -> memref<8192xf32, #tpu.memory_space<hbm>>
    %dma_wait3A_347 = tpu.memref_slice %arg4[%mul3A_296] : memref<2097152xf32, #tpu.memory_space<hbm>> -> memref<8192xf32, #tpu.memory_space<hbm>>
    %dma_wait3A_348 = arith.constant 8192 : i32
    %dma_wait3A_349 = tpu.memref_slice %arg7[%dma_wait3A_348] : memref<16384xf32, #tpu.memory_space<vmem>> -> memref<8192xf32, #tpu.memory_space<vmem>>
    tpu.wait_dma2 semaphore(%arg8 : memref<!tpu.dma_semaphore, #tpu.memory_space<semaphore_mem>>) src(%dma_wait3A_349 : memref<8192xf32, #tpu.memory_space<vmem>>) dst(%dma_wait3A_347 : memref<8192xf32, #tpu.memory_space<hbm>>)
    return
  }
}

</mosaic_0001>

<sc_bundles>
// kernel: _pos_embed_sc.3.cloned.1.call-start
scs
__scs_entry_jumppad:
0x0: {  	(pc) =	sbr.rel $0x88, $3  }
0x1: {  	(tag) =	ssettag $0x0;
	lr =	simm.s32 $0x1  }
0x2: {  	[smem:$0x3F9F] =	sst lr;
	_ =	strace $0xD0000000  }
0x3: {  	_ = 	snop  }
0x4: {  	_ = 	snop  }
0x5: {  	_ = 	snop  }
0x6: {  	_ = 	snop  }
0x7: {  	_ = 	snop  }
__scs_overlays_trampoline_lowered:
0x8: {  	[smem:$0x3FAE] =	sst s0  }
0x9: {  	[smem:$0x3FAF] =	sst s1  }
0xa: {  	[smem:$0x3FB0] =	sst s2  }
0xb: {  	[smem:$0x3FB1] =	sst s3  }
0xc: {  	[smem:$0x3FB2] =	sst s4  }
0xd: {  	[smem:$0x3FB3] =	sst s5  }
0xe: {  	[smem:$0x3FB4] =	sst s6  }
0xf: {  	[smem:$0x3FB5] =	sst s7  }
0x10: {  	[smem:$0x3FB6] =	sst s8  }
0x11: {  	[smem:$0x3FB7] =	sst s9;
	s0 =	simm.s32 @!p0 $0x0  }
0x12: {  	s1 =	sld [smem:$0x3F9D];
	s0 =	simm.s32 @p0 $0x1  }
0x13: {  	[smem:$0x3FB8] =	sst s0;
	s0 =	simm.s32 @!p1 $0x0  }
0x14: {  	s2 =	sld [smem:$0x3F9C];
	s0 =	simm.s32 @p1 $0x1  }
0x15: {  	[smem:$0x3FB9] =	sst s0;
	s0 =	simm.s32 @!p2 $0x0  }
0x16: {  	s3 =	sld [smem:$0x3FDB];
	s0 =	simm.s32 @p2 $0x1  }
0x17: {  	s4 =	simm.s32 $0x1BF5;
	[smem:$0x3FBB] =	sst s0  }
0x18: {  	s0 =	sld [smem:$0x3F9E];
	_ =	swait.ge [sflag:s4], $0x0  }
0x19: {  	s7 =	sld [smem:$0x3F9F]  }
0x1a: {  	s8 =	sadd.s32 $0xFFFFE003, lr  }
0x1b: {  	s9 =	sadd.s32 $0xFFFFFEF7, lr;
	s5 =	simm.s32 $0xFFFFFFFF;
	p2 =	slt.u32 s8, $0xFFFFF086  }
0x1c: {  	p1 =	slt.u32 s9, $0xF7A;
	s5 =	simm.s32 @!p2 $0x0  }
0x1d: {  	s5 =	simm.s32 @p1 $0x1;
	p0 =	seq.s32 s7, s2  }
0x1e: {  	s7 =	smul.u32 @!p0 $0xF7A, s2;
	p2 =	seq.s32 @!p0 s5, $0x0  }
0x1f: {  	s9 =	smul.u32 $0xF7A, s1;
	s8 =	simm.s32 @!p0 $0x1BF5;
	p2 =	por !p2, p0  }
0x20: {  	[sflag:s8] =	ssyncset.s32 @!p0 $0xFFFFF086;
	s6 =	sadd.s32 @!p0 s3, s7;
	s7 =	simm.s32 @!p0 $0x108  }
0x21: {  	s3 =	sadd.s32 s3, s9;
	s6 =	sadd.s32 @!p0 $0x88, s6;
	s7 =	simm.s32 @p2 $0x1082  }
0x22: {  	[simem:s7], [sflag:s8] =	dma.local @!p0 [hbm:s6], $0xF7A  }
0x23: {  	s9 =	sor.u32 $0xD0000000, s2;
	s6 =	simm.s32 $0x108;
	_ =	swait.ge @!p0 [sflag:s8], $0x0  }
0x24: {  	s3 =	sadd.s32 $0x88, s3;
	s6 =	simm.s32 @!p1 $0x1082;
	[sflag:s4] =	ssyncset.s32 $0xFFFFF086  }
0x25: {  	[simem:s6], [sflag:s4] =	dma.local [hbm:s3], $0xF7A  }
0x26: {  	[smem:$0x3F9F] =	sst s1;
	(tag) =	ssettag s2;
	_ =	strace s9  }
0x27: {  	s1 =	sld [smem:$0x3FAF]  }
0x28: {  	s2 =	sld [smem:$0x3FB0]  }
0x29: {  	s4 =	sld [smem:$0x3FB2]  }
0x2a: {  	p0 =	seq.s32 s5, $0x0;
	s5 =	sld [smem:$0x3FB3]  }
0x2b: {  	s6 =	sld [smem:$0x3FB4]  }
0x2c: {  	s7 =	sld [smem:$0x3FB5]  }
0x2d: {  	s3 =	simm.s32 $0x108;
	s8 =	sld [smem:$0x3FB6]  }
0x2e: {  	s3 =	simm.s32 @!p0 $0x1082;
	s9 =	sld [smem:$0x3FB7]  }
0x2f: {  	lr =	sadd.s32 s0, s3;
	s0 =	sld [smem:$0x3FAE]  }
0x30: {  	s3 =	sld [smem:$0x3FB1]  }
0x31: {  	[smem:$0x3FBA] =	sst s10  }
0x32: {  	s10 =	sld [smem:$0x3FB8];
	_ =	sdelay $0x3  }
0x33: {  	p0 =	seq.s32 s10, $0x1;
	s10 =	sld [smem:$0x3FBA];
	_ =	sdelay $0x3  }
0x34: {  	[smem:$0x3FBA] =	sst s10  }
0x35: {  	s10 =	sld [smem:$0x3FB9];
	_ =	sdelay $0x3  }
0x36: {  	p1 =	seq.s32 s10, $0x1;
	s10 =	sld [smem:$0x3FBA];
	_ =	sdelay $0x3  }
0x37: {  	[smem:$0x3FBA] =	sst s10  }
0x38: {  	s10 =	sld [smem:$0x3FBB]  }
0x39: {  	_ = 	snop;
	(pc) =	sbr.ind lr, $3  }
0x3a: {  	_ = 	snop  }
0x3b: {  	_ = 	snop  }
0x3c: {  	p2 =	seq.s32 s10, $0x1;
	s10 =	sld [smem:$0x3FBA]  }
0x3d: {  	_ =	shalt  }
0x3e: {  	_ =	shalt  }
0x3f: {  	_ =	shalt  }
0x40: {  	_ =	shalt  }
0x41: {  	_ =	shalt  }
0x42: {  	_ =	shalt  }
0x43: {  	_ =	shalt  }
0x44: {  	_ =	shalt  }
0x45: {  	_ =	shalt  }
0x46: {  	_ =	shalt  }
0x47: {  	_ =	shalt  }
0x48: {  	_ =	shalt  }
0x49: {  	_ =	shalt  }
0x4a: {  	_ =	shalt  }
0x4b: {  	_ =	shalt  }
0x4c: {  	_ =	shalt  }
0x4d: {  	_ =	shalt  }
0x4e: {  	_ =	shalt  }
0x4f: {  	_ =	shalt  }
0x50: {  	_ =	shalt  }
0x51: {  	_ =	shalt  }
0x52: {  	_ =	shalt  }
0x53: {  	_ =	shalt  }
0x54: {  	_ =	shalt  }
0x55: {  	_ =	shalt  }
0x56: {  	_ =	shalt  }
0x57: {  	_ =	shalt  }
0x58: {  	_ =	shalt  }
0x59: {  	_ =	shalt  }
0x5a: {  	_ =	shalt  }
0x5b: {  	_ =	shalt  }
0x5c: {  	_ =	shalt  }
0x5d: {  	_ =	shalt  }
0x5e: {  	_ =	shalt  }
0x5f: {  	_ =	shalt  }
0x60: {  	_ =	shalt  }
0x61: {  	_ =	shalt  }
0x62: {  	_ =	shalt  }
0x63: {  	_ =	shalt  }
0x64: {  	_ =	shalt  }
0x65: {  	_ =	shalt  }
0x66: {  	_ =	shalt  }
0x67: {  	_ =	shalt  }
0x68: {  	_ =	shalt  }
0x69: {  	_ =	shalt  }
0x6a: {  	_ =	shalt  }
0x6b: {  	_ =	shalt  }
0x6c: {  	_ =	shalt  }
0x6d: {  	_ =	shalt  }
0x6e: {  	_ =	shalt  }
0x6f: {  	_ =	shalt  }
0x70: {  	_ =	shalt  }
0x71: {  	_ =	shalt  }
0x72: {  	_ =	shalt  }
0x73: {  	_ =	shalt  }
0x74: {  	_ =	shalt  }
0x75: {  	_ =	shalt  }
0x76: {  	_ =	shalt  }
0x77: {  	_ =	shalt  }
0x78: {  	_ =	shalt  }
0x79: {  	_ =	shalt  }
0x7a: {  	_ =	shalt  }
0x7b: {  	_ =	shalt  }
0x7c: {  	_ =	shalt  }
0x7d: {  	_ =	shalt  }
0x7e: {  	_ =	shalt  }
0x7f: {  	_ =	shalt  }
0x80: {  	_ =	shalt  }
0x81: {  	_ =	shalt  }
0x82: {  	_ =	shalt  }
0x83: {  	_ =	shalt  }
0x84: {  	_ =	shalt  }
0x85: {  	_ =	shalt  }
0x86: {  	_ =	shalt  }
0x87: {  	_ =	shalt  }
.Lfunc_end0:
.L_simem_size_0:
called_computation_lowered:
.L_overlay_start_0:
0x88: {  	s2 =	sld [smem:$0x3FD9]  }
0x89: {  	s3 =	sld [smem:$0x3FFE];
	_ =	sdelay $0x1  }
0x8a: {  	s1 =	srdreg.scid  }
0x8b: {  	s0 =	sand.u32 $0x1, s1  }
0x8c: {  	s17 =	sshll.u32 s0, $0xA;
	s2 =	sadd.s32 s3, s2  }
0x8d: {  	s2 =	sadd.s32 s2, s17  }
0x8e: {  	[smem:$0x3FC6] =	sst s2  }
0x8f: {  	_ = 	snop  }
0x90: {  	s2 =	sld [smem:$0x3FD0];
	(tm) =	ssettm $0x1  }
0x91: {  	s18 =	sld [smem:$0x3FFB];
	_ =	sdelay $0x3  }
0x92: {  	_ =	strace s18  }
0x93: {  	s3 =	sld [smem:$0x3FFC];
	_ =	sdelay $0x3  }
0x94: {  	_ =	strace s3  }
0x95: {  	s3 =	sld [smem:$0x3FFD];
	_ =	sdelay $0x3  }
0x96: {  	_ =	strace s3  }
0x97: {  	_ =	strace $0x8FFFFFFF  }
0x98: {  	s19 =	sld [smem:$0x3FDB];
	_ =	sdelay $0x1  }
0x99: {  	s4 =	simm.s32 $_scs_section_size  }
0x9a: {  	s5 =	simm.s32 $_size__tile_overlayer_lowered;
	s6 =	simm.s32 $_tile_overlayer_lowered  }
0x9b: {  	s22 =	simm.s32 $0x1BFF;
	s21 =	sshll.u32 s6, $0x1;
	s3 =	sadd.s32 s4, s19  }
0x9c: {  	s7 =	simm.s32 $0x0;
	s20 =	sshll.u32 s5, $0x1;
	s5 =	sadd.s32 s21, s3  }
0x9d: {  	[timem:s7], [sflag:s22] =	dma.local [hbm:s5], s20  }
0x9e: {  	_ =	swait.ge [sflag:s22], s20  }
0x9f: {  	s4 =	ssub.s32 $0x0, s20;
	[sflag:s22] =	ssyncset.done $0x0  }
0xa0: {  	[sflag:s22] =	ssyncadd.s32 s4;
	_ =	sdelay $0x1  }
0xa1: {  	s23 =	simm.s32 $0x1B8B  }
0xa2: {  	_ =	swait.ge [sflag:s23], $0x1  }
0xa3: {  	[sflag:s23] =	ssyncset.done $0x0  }
0xa4: {  	s25 =	simm.s32 $0x1B8E;
	s24 =	sld [smem:$0x3FFE];
	[sflag:s23] =	ssyncadd.s32 $0xFFFFFFFF  }
0xa5: {  	s26 =	simm.s32 $execute0_lowered;
	[smem:$0x3FD2] =	sst s25  }
0xa6: {  	s5 =	sshll.u32 s26, $0x1;
	_ =	strace $0x80000046;
	[dreg:$0x1] =	wrdreg $0xFFFFFFFF  }
0xa7: {  	s28 =	simm.s32 $_size_execute0_lowered;
	s3 =	sadd.s32 s3, s5;
	[dreg:$0x0] =	wrdreg $0x0  }
0xa8: {  	s5 =	sshll.u32 s28, $0x1;
	[dreg:$0x2] =	wrdreg s3  }
0xa9: {  	[dreg:$0x3] =	wrdreg s5  }
0xaa: {  	[dreg:$0x4] =	wrdreg $0xC0  }
0xab: {  	_ =	task [dreg:s7], $0x5FFFF  }
0xac: {  	[dreg:$0x1] =	wrdreg $0xFFFFFFFF  }
0xad: {  	[dreg:$0x0] =	wrdreg $0x60  }
0xae: {  	[dreg:$0x2] =	wrdreg s24  }
0xaf: {  	[dreg:$0x3] =	wrdreg s2  }
0xb0: {  	[dreg:$0x4] =	wrdreg $0x9  }
0xb1: {  	_ =	task.clear_ibuf [dreg:s7], $0x5FFFF;
	_ =	strace $0x90000046  }
0xb2: {  	s29 =	simm.s32 $0x9;
	_ =	strace $0x80000048  }
0xb3: {  	_ =	swait.ge [sflag:s29], $0x1  }
0xb4: {  	[sflag:s29] =	ssyncadd.s32 $0xFFFFFFFF  }
0xb5: {  	_ =	strace $0x90000048  }
0xb6: {  	_ =	sfence  }
0xb7: {  	s30 =	sld [smem:$0x0];
	_ =	sdelay $0x2  }
0xb8: {  	s31 =	sshll.u32 s1, $0xD;
	s1 =	sshrl.u32 s1, $0x2  }
0xb9: {  	s3 =	sand.u32 $0x4000, s31;
	s1 =	sadd.s32 s1, s30  }
0xba: {  	s0 =	sor.u32 s3, s0;
	s1 =	sshll.u32 s1, $0x11  }
0xbb: {  	s0 =	sor.u32 s1, s0  }
0xbc: {  	s0 =	sadd.s32 $0x8F2B, s0  }
0xbd: {  	[sflag:s0] =	ssyncadd.remote.s32 $0x1  }
0xbe: {  	_ =	sfence.sel $0xFFFF  }
0xbf: {  	[dreg:$0x0] =	wrdreg $0xFFFFFFFF;
	(pc) =	sbr.abs _section_cstart, $3  }
0xc0: {  	[dreg:$0x1] =	wrdreg $0xFFFFFFFF  }
0xc1: {  	_ =	task.clear_ibuf [dreg:s7], $0x2FFFF;
	_ =	strace $0x9FFFFFFF  }
0xc2: {  	(tm) =	ssettm $0x7FFFFFFF  }
0xc3: {  	_ =	shalt  }
tec
execute0_lowered:
.L_overlay_start_1:
0x0: {  	(tag) =	ssettag $0x1  }
0x1: {  	s4 =	rddreg [dreg:$0x0]  }
0x2: {  	s5 =	rddreg [dreg:$0x1]  }
0x3: {  	s0 =	rddreg [dreg:$0x2];
	s2 =	simm.s32 $0x0;
	s3 =	srdreg.scid  }
0x4: {  	s1 =	stileid.u32;
	[smem:$0x7FF] =	sst s2;
	s10 =	sand.u32 $0x1, s3  }
0x5: {  	s7 =	sshll.u32 s1, $0x1;
	s3 =	sadd.s32 $0x400, s4;
	s4 =	sadd.s32 $0x800, s4  }
0x6: {  	s17 =	sshll.u32 s1, $0x4;
	_ =	strace $0x80000047;
	s6 =	ssub.s32 $0x2, s10  }
0x7: {  	s7 =	sor.u32 s10, s7;
	s20 =	sshll.u32 s10, $0x3;
	s8 =	sshrl.u32 s6, $0x1  }
0x8: {  	v0 =	vlaneseq.u32;
	s9 =	sshll.u32 s7, $0x3;
	s31 =	sshll.u32 s7, $0xA;
	s19 =	sshllo.u32 s7, $0x3  }
0x9: {  	v14 =	vmul.u32 $0x100, v0;
	s17 =	sor.u32 s20, s17;
	s20 =	simm.s32 $0x0;
	s13 =	ssub.s32 s6, s8  }
0xa: {  	s11 =	sor.u32 $0x1, s9;
	s12 =	sor.u32 $0x2, s9;
	s14 =	sor.u32 $0x3, s9  }
0xb: {  	v15 =	vor.u32 $0x1000, v14;
	s15 =	sor.u32 $0x4, s9;
	s16 =	sor.u32 $0x5, s9;
	s5 =	sadd.s32 s5, s31;
	v0 =	vor.u32 s9, v14  }
0xc: {  	s18 =	sor.u32 $0x6, s9;
	v1 =	vor.u32 s9, v15;
	s6 =	sadd.s32 $0x8000, s5;
	s7 =	sadd.s32 $0x10000, s5;
	v2 =	vor.u32 s11, v14;
	v3 =	vor.u32 s11, v15  }
0xd: {  	s8 =	sadd.s32 $0x18000, s5;
	s9 =	sadd.s32 $0x20000, s5;
	v4 =	vor.u32 s12, v14;
	v5 =	vor.u32 s12, v15;
	v6 =	vor.u32 s14, v14;
	s10 =	sadd.s32 $0x28000, s5  }
0xe: {  	s11 =	sadd.s32 $0x30000, s5;
	v7 =	vor.u32 s14, v15;
	v8 =	vor.u32 s15, v14;
	v9 =	vor.u32 s15, v15;
	s12 =	sadd.s32 $0x38000, s5;
	s13 =	smax.u32 s13, $0x1  }
0xf: {  	s14 =	sor.u32 $0x2000, s17;
	v10 =	vor.u32 s16, v14;
	v11 =	vor.u32 s16, v15;
	v12 =	vor.u32 s18, v14;
	s15 =	simm.s32 $0x2;
	s16 =	simm.s32 $0x2000  }
0x10: {  	s17 =	simm.s32 $0x4000;
	v13 =	vor.u32 s18, v15;
	v14 =	vor.u32 s19, v14;
	v15 =	vor.u32 s19, v15;
	s18 =	simm.s32 $0x6000;
	s19 =	simm.s32 $0x1  }
.LBB2_1:
0x11: {  	[tilespmem:s2], [sflag:$0x2] =	stream.linear.gather [hbm4b:s4+s2], $0x2000, $0x38;
	[tilespmem:$0x8000] =	vst v63  }
0x12: {  	_ =	swait.ge [sflag:s15], $0x2000  }
0x13: {  	[sflag:s15] =	ssyncset.done $0x0  }
0x14: {  	[sflag:s15] =	ssyncadd.s32 $0xFFFFE000  }
0x15: {  	[tilespmem:s16], [sflag:$0x2] =	stream.linear.gather [hbm4b:s3+s2], $0x2000, $0x38;
	[tilespmem:$0x8000] =	vst v63  }
0x16: {  	_ =	swait.ge [sflag:s15], $0x2000  }
0x17: {  	[sflag:s15] =	ssyncset.done $0x0  }
0x18: {  	[sflag:s15] =	ssyncadd.s32 $0xFFFFE000  }
0x19: {  	v16 =	vld.idx.msk [tilespmem:v0+s2+$0x0], $0xffff  }
0x1a: {  	v17 =	vld.idx.msk [tilespmem:v1+s2+$0x0], $0xffff;
	_ =	sdelay $0x3  }
0x1b: {  	[tilespmem:$0x4000] =	vst v16  }
0x1c: {  	[tilespmem:$0x4010] =	vst v17  }
0x1d: {  	[tilespmem:$0x4020] =	vst v16  }
0x1e: {  	[tilespmem:$0x4030] =	vst v17  }
0x1f: {  	[tilespmem:$0x4040] =	vst v16  }
0x20: {  	[tilespmem:$0x4050] =	vst v17  }
0x21: {  	[tilespmem:$0x4060] =	vst v16  }
0x22: {  	[tilespmem:$0x4070] =	vst v17  }
0x23: {  	[tilespmem:$0x4080] =	vst v16  }
0x24: {  	[tilespmem:$0x4090] =	vst v17  }
0x25: {  	[tilespmem:$0x40A0] =	vst v16  }
0x26: {  	[tilespmem:$0x40B0] =	vst v17  }
0x27: {  	[tilespmem:$0x40C0] =	vst v16  }
0x28: {  	[tilespmem:$0x40D0] =	vst v17  }
0x29: {  	[tilespmem:$0x40E0] =	vst v16  }
0x2a: {  	[tilespmem:$0x40F0] =	vst v17  }
0x2b: {  	[tilespmem:$0x4100] =	vst v16  }
0x2c: {  	[tilespmem:$0x4110] =	vst v17  }
0x2d: {  	[tilespmem:$0x4120] =	vst v16  }
0x2e: {  	[tilespmem:$0x4130] =	vst v17  }
0x2f: {  	[tilespmem:$0x4140] =	vst v16  }
0x30: {  	[tilespmem:$0x4150] =	vst v17  }
0x31: {  	[tilespmem:$0x4160] =	vst v16  }
0x32: {  	[tilespmem:$0x4170] =	vst v17  }
0x33: {  	[tilespmem:$0x4180] =	vst v16  }
0x34: {  	[tilespmem:$0x4190] =	vst v17  }
0x35: {  	[tilespmem:$0x41A0] =	vst v16  }
0x36: {  	[tilespmem:$0x41B0] =	vst v17  }
0x37: {  	[tilespmem:$0x41C0] =	vst v16  }
0x38: {  	[tilespmem:$0x41D0] =	vst v17  }
0x39: {  	[tilespmem:$0x41E0] =	vst v16  }
0x3a: {  	[tilespmem:$0x41F0] =	vst v17  }
0x3b: {  	[tilespmem:$0x4200] =	vst v16  }
0x3c: {  	[tilespmem:$0x4210] =	vst v17  }
0x3d: {  	[tilespmem:$0x4220] =	vst v16  }
0x3e: {  	[tilespmem:$0x4230] =	vst v17  }
0x3f: {  	[tilespmem:$0x4240] =	vst v16  }
0x40: {  	[tilespmem:$0x4250] =	vst v17  }
0x41: {  	[tilespmem:$0x4260] =	vst v16  }
0x42: {  	[tilespmem:$0x4270] =	vst v17  }
0x43: {  	[tilespmem:$0x4280] =	vst v16  }
0x44: {  	[tilespmem:$0x4290] =	vst v17  }
0x45: {  	[tilespmem:$0x42A0] =	vst v16  }
0x46: {  	[tilespmem:$0x42B0] =	vst v17  }
0x47: {  	[tilespmem:$0x42C0] =	vst v16  }
0x48: {  	[tilespmem:$0x42D0] =	vst v17  }
0x49: {  	[tilespmem:$0x42E0] =	vst v16  }
0x4a: {  	[tilespmem:$0x42F0] =	vst v17  }
0x4b: {  	[tilespmem:$0x4300] =	vst v16  }
0x4c: {  	[tilespmem:$0x4310] =	vst v17  }
0x4d: {  	[tilespmem:$0x4320] =	vst v16  }
0x4e: {  	[tilespmem:$0x4330] =	vst v17  }
0x4f: {  	[tilespmem:$0x4340] =	vst v16  }
0x50: {  	[tilespmem:$0x4350] =	vst v17  }
0x51: {  	[tilespmem:$0x4360] =	vst v16  }
0x52: {  	[tilespmem:$0x4370] =	vst v17  }
0x53: {  	[tilespmem:$0x4380] =	vst v16  }
0x54: {  	[tilespmem:$0x4390] =	vst v17  }
0x55: {  	[tilespmem:$0x43A0] =	vst v16  }
0x56: {  	[tilespmem:$0x43B0] =	vst v17  }
0x57: {  	[tilespmem:$0x43C0] =	vst v16  }
0x58: {  	[tilespmem:$0x43D0] =	vst v17  }
0x59: {  	[tilespmem:$0x43E0] =	vst v16  }
0x5a: {  	[tilespmem:$0x43F0] =	vst v17  }
0x5b: {  	v16 =	vld.idx.msk [tilespmem:v2+s2+$0x0], $0xffff  }
0x5c: {  	v17 =	vld.idx.msk [tilespmem:v3+s2+$0x0], $0xffff;
	_ =	sdelay $0x2  }
0x5d: {  	s22 =	sand.u32 $0x3E0, s2  }
0x5e: {  	s21 =	simm.s32 $0x4410;
	[tilespmem:s22+$0x4400] =	vst v16  }
0x5f: {  	s22 =	simm.s32 $0x20;
	[tilespmem:s21+$0x0] =	vst v17  }
.LBB2_2:
0x60: {  	p0 =	sne.s32 s22, $0x3E0  }
.Ltmp0:
0x61: {  	_ = 	snop;
	(pc) =	sbr.rel @p0 .LBB2_2-.Ltmp0, $4  }
0x62: {  	_ = 	snop  }
0x63: {  	s23 =	sand.u32 $0x3E0, s22  }
0x64: {  	s22 =	sadd.s32 $0x20, s22;
	s21 =	sadd.s32 $0x20, s21;
	[tilespmem:s23+$0x4400] =	vst v16  }
0x65: {  	[tilespmem:s21+$0x0] =	vst v17  }
0x66: {  	_ =	sdelay $0x2  }
0x67: {  	s21 =	simm.s32 $0x0  }
0x68: {  	v16 =	vld.idx.msk [tilespmem:v4+s21+$0x0], $0xffff  }
0x69: {  	v17 =	vld.idx.msk [tilespmem:v5+s21+$0x0], $0xffff;
	_ =	sdelay $0x2  }
0x6a: {  	s22 =	sand.u32 $0x3E0, s21  }
0x6b: {  	s21 =	simm.s32 $0x4810;
	[tilespmem:s22+$0x4800] =	vst v16  }
0x6c: {  	s22 =	simm.s32 $0x20;
	[tilespmem:s21+$0x0] =	vst v17  }
.LBB2_4:
0x6d: {  	p0 =	sne.s32 s22, $0x3E0  }
.Ltmp1:
0x6e: {  	_ = 	snop;
	(pc) =	sbr.rel @p0 .LBB2_4-.Ltmp1, $4  }
0x6f: {  	_ = 	snop  }
0x70: {  	s23 =	sand.u32 $0x3E0, s22  }
0x71: {  	s22 =	sadd.s32 $0x20, s22;
	s21 =	sadd.s32 $0x20, s21;
	[tilespmem:s23+$0x4800] =	vst v16  }
0x72: {  	[tilespmem:s21+$0x0] =	vst v17  }
0x73: {  	_ =	sdelay $0x2  }
0x74: {  	s21 =	simm.s32 $0x0  }
0x75: {  	v16 =	vld.idx.msk [tilespmem:v6+s21+$0x0], $0xffff  }
0x76: {  	v17 =	vld.idx.msk [tilespmem:v7+s21+$0x0], $0xffff;
	_ =	sdelay $0x2  }
0x77: {  	s22 =	sand.u32 $0x3E0, s21  }
0x78: {  	s21 =	simm.s32 $0x4C10;
	[tilespmem:s22+$0x4C00] =	vst v16  }
0x79: {  	s22 =	simm.s32 $0x20;
	[tilespmem:s21+$0x0] =	vst v17  }
.LBB2_6:
0x7a: {  	p0 =	sne.s32 s22, $0x3E0  }
.Ltmp2:
0x7b: {  	_ = 	snop;
	(pc) =	sbr.rel @p0 .LBB2_6-.Ltmp2, $4  }
0x7c: {  	_ = 	snop  }
0x7d: {  	s23 =	sand.u32 $0x3E0, s22  }
0x7e: {  	s22 =	sadd.s32 $0x20, s22;
	s21 =	sadd.s32 $0x20, s21;
	[tilespmem:s23+$0x4C00] =	vst v16  }
0x7f: {  	[tilespmem:s21+$0x0] =	vst v17  }
0x80: {  	_ =	sdelay $0x2  }
0x81: {  	s21 =	simm.s32 $0x0  }
0x82: {  	v16 =	vld.idx.msk [tilespmem:v8+s21+$0x0], $0xffff  }
0x83: {  	v17 =	vld.idx.msk [tilespmem:v9+s21+$0x0], $0xffff;
	_ =	sdelay $0x2  }
0x84: {  	s22 =	sand.u32 $0x3E0, s21  }
0x85: {  	s21 =	simm.s32 $0x5010;
	[tilespmem:s22+$0x5000] =	vst v16  }
0x86: {  	s22 =	simm.s32 $0x20;
	[tilespmem:s21+$0x0] =	vst v17  }
.LBB2_8:
0x87: {  	p0 =	sne.s32 s22, $0x3E0  }
.Ltmp3:
0x88: {  	_ = 	snop;
	(pc) =	sbr.rel @p0 .LBB2_8-.Ltmp3, $4  }
0x89: {  	_ = 	snop  }
0x8a: {  	s23 =	sand.u32 $0x3E0, s22  }
0x8b: {  	s22 =	sadd.s32 $0x20, s22;
	s21 =	sadd.s32 $0x20, s21;
	[tilespmem:s23+$0x5000] =	vst v16  }
0x8c: {  	[tilespmem:s21+$0x0] =	vst v17  }
0x8d: {  	_ =	sdelay $0x2  }
0x8e: {  	s21 =	simm.s32 $0x0  }
0x8f: {  	v16 =	vld.idx.msk [tilespmem:v10+s21+$0x0], $0xffff  }
0x90: {  	v17 =	vld.idx.msk [tilespmem:v11+s21+$0x0], $0xffff;
	_ =	sdelay $0x2  }
0x91: {  	s22 =	sand.u32 $0x3E0, s21  }
0x92: {  	s21 =	simm.s32 $0x5410;
	[tilespmem:s22+$0x5400] =	vst v16  }
0x93: {  	s22 =	simm.s32 $0x20;
	[tilespmem:s21+$0x0] =	vst v17  }
.LBB2_10:
0x94: {  	p0 =	sne.s32 s22, $0x3E0  }
.Ltmp4:
0x95: {  	_ = 	snop;
	(pc) =	sbr.rel @p0 .LBB2_10-.Ltmp4, $4  }
0x96: {  	_ = 	snop  }
0x97: {  	s23 =	sand.u32 $0x3E0, s22  }
0x98: {  	s22 =	sadd.s32 $0x20, s22;
	s21 =	sadd.s32 $0x20, s21;
	[tilespmem:s23+$0x5400] =	vst v16  }
0x99: {  	[tilespmem:s21+$0x0] =	vst v17  }
0x9a: {  	_ =	sdelay $0x2  }
0x9b: {  	s21 =	simm.s32 $0x0  }
0x9c: {  	v16 =	vld.idx.msk [tilespmem:v12+s21+$0x0], $0xffff  }
0x9d: {  	v17 =	vld.idx.msk [tilespmem:v13+s21+$0x0], $0xffff;
	_ =	sdelay $0x2  }
0x9e: {  	s22 =	sand.u32 $0x3E0, s21  }
0x9f: {  	s21 =	simm.s32 $0x5810;
	[tilespmem:s22+$0x5800] =	vst v16  }
0xa0: {  	s22 =	simm.s32 $0x20;
	[tilespmem:s21+$0x0] =	vst v17  }
.LBB2_12:
0xa1: {  	p0 =	sne.s32 s22, $0x3E0  }
.Ltmp5:
0xa2: {  	_ = 	snop;
	(pc) =	sbr.rel @p0 .LBB2_12-.Ltmp5, $4  }
0xa3: {  	_ = 	snop  }
0xa4: {  	s23 =	sand.u32 $0x3E0, s22  }
0xa5: {  	s22 =	sadd.s32 $0x20, s22;
	s21 =	sadd.s32 $0x20, s21;
	[tilespmem:s23+$0x5800] =	vst v16  }
0xa6: {  	[tilespmem:s21+$0x0] =	vst v17  }
0xa7: {  	_ =	sdelay $0x2  }
0xa8: {  	s21 =	simm.s32 $0x0  }
0xa9: {  	v16 =	vld.idx.msk [tilespmem:v14+s21+$0x0], $0xffff  }
0xaa: {  	s22 =	simm.s32 $0x5C10;
	s23 =	simm.s32 $0x0;
	v17 =	vld.idx.msk [tilespmem:v15+s21+$0x0], $0xffff  }
.LBB2_14:
0xab: {  	p0 =	sne.s32 s23, $0x3E0  }
.Ltmp6:
0xac: {  	_ = 	snop;
	(pc) =	sbr.rel @p0 .LBB2_14-.Ltmp6, $4  }
0xad: {  	_ = 	snop  }
0xae: {  	s24 =	sand.u32 $0x3E0, s23  }
0xaf: {  	[tilespmem:s24+$0x5C00] =	vst v16  }
0xb0: {  	s23 =	sadd.s32 $0x20, s23;
	[tilespmem:s22+$0x0] =	vst v17;
	s22 =	sadd.s32 $0x20, s22  }
0xb1: {  	v16 =	vld [tilespmem:s14+$0x0];
	_ =	sdelay $0x4  }
0xb2: {  	v17 =	vbroadcast v16, $0x0  }
0xb3: {  	s22 =	sand.u32 $0x3E0, s21  }
0xb4: {  	s21 =	simm.s32 $0x7C10;
	v18 =	vbroadcast v16, $0x1;
	[tilespmem:s22+$0x6000] =	vst v17  }
0xb5: {  	[tilespmem:s21+$0xFFFFE400] =	vst v17  }
0xb6: {  	v19 =	vbroadcast v16, $0x2;
	[tilespmem:s22+$0x6400] =	vst v18  }
0xb7: {  	[tilespmem:s21+$0xFFFFE800] =	vst v18  }
0xb8: {  	v18 =	vbroadcast v16, $0x3;
	[tilespmem:s22+$0x6800] =	vst v19  }
0xb9: {  	s23 =	simm.s32 $0x20;
	s24 =	smov.u32 s14;
	v17 =	vbroadcast v16, $0x7;
	[tilespmem:s21+$0xFFFFEC00] =	vst v19  }
.LBB2_16:
0xba: {  	p0 =	sne.s32 s23, $0x3E0;
	[tilespmem:s22+$0x6C00] =	vst v18;
	v19 =	vbroadcast v16, $0x4  }
0xbb: {  	[tilespmem:s21+$0xFFFFF000] =	vst v18  }
0xbc: {  	v18 =	vbroadcast v16, $0x5;
	[tilespmem:s22+$0x7000] =	vst v19  }
0xbd: {  	[tilespmem:s21+$0xFFFFF400] =	vst v19  }
0xbe: {  	v16 =	vbroadcast v16, $0x6;
	[tilespmem:s22+$0x7400] =	vst v18  }
0xbf: {  	[tilespmem:s21+$0xFFFFF800] =	vst v18  }
0xc0: {  	[tilespmem:s22+$0x7800] =	vst v16  }
0xc1: {  	[tilespmem:s21+$0xFFFFFC00] =	vst v16  }
0xc2: {  	[tilespmem:s22+$0x7C00] =	vst v17  }
0xc3: {  	s24 =	sadd.s32 $0x100, s24;
	[tilespmem:s21+$0x0] =	vst v17  }
0xc4: {  	v16 =	vld [tilespmem:s24+$0x0];
	_ =	sdelay $0x4  }
0xc5: {  	v18 =	vbroadcast v16, $0x0;
	v17 =	vbroadcast v16, $0x7  }
0xc6: {  	s22 =	sand.u32 $0x3E0, s23  }
0xc7: {  	s21 =	sadd.s32 $0x20, s21;
	v19 =	vbroadcast v16, $0x1;
	[tilespmem:s22+$0x6000] =	vst v18  }
.Ltmp7:
0xc8: {  	[tilespmem:s21+$0xFFFFE400] =	vst v18;
	(pc) =	sbr.rel @p0 .LBB2_16-.Ltmp7, $4  }
0xc9: {  	v20 =	vbroadcast v16, $0x2;
	[tilespmem:s22+$0x6400] =	vst v19  }
0xca: {  	[tilespmem:s21+$0xFFFFE800] =	vst v19  }
0xcb: {  	v18 =	vbroadcast v16, $0x3;
	[tilespmem:s22+$0x6800] =	vst v20  }
0xcc: {  	s23 =	sadd.s32 $0x20, s23;
	[tilespmem:s21+$0xFFFFEC00] =	vst v20  }
0xcd: {  	[tilespmem:s22+$0x6C00] =	vst v18;
	v19 =	vbroadcast v16, $0x4  }
0xce: {  	[tilespmem:s21+$0xFFFFF000] =	vst v18  }
0xcf: {  	v63 =	vbroadcast v16, $0x5;
	[tilespmem:s22+$0x7000] =	vst v19  }
0xd0: {  	[tilespmem:s21+$0xFFFFF400] =	vst v19  }
0xd1: {  	v16 =	vbroadcast v16, $0x6;
	[tilespmem:s22+$0x7400] =	vst v63  }
0xd2: {  	[tilespmem:s21+$0xFFFFF800] =	vst v63  }
0xd3: {  	[tilespmem:s22+$0x7800] =	vst v16  }
0xd4: {  	[tilespmem:s21+$0xFFFFFC00] =	vst v16  }
0xd5: {  	[tilespmem:s22+$0x7C00] =	vst v17  }
0xd6: {  	[tilespmem:s21+$0x0] =	vst v17  }
0xd7: {  	[hbm4b:s5+s2] =	stream.linear.scatter [tilespmem:s17], [sflag:$0x1], $0x2000, $0x38;
	[tilespmem:$0x8000] =	vst v63  }
0xd8: {  	_ = 	snop  }
0xd9: {  	[hbm4b:s6+s2] =	stream.linear.scatter [tilespmem:s18], [sflag:$0x1], $0x2000, $0x38;
	[tilespmem:$0x8000] =	vst v63  }
0xda: {  	_ = 	snop  }
0xdb: {  	[hbm4b:s7+s2] =	stream.linear.scatter [tilespmem:s17], [sflag:$0x1], $0x2000, $0x38;
	[tilespmem:$0x8000] =	vst v63  }
0xdc: {  	_ = 	snop  }
0xdd: {  	[hbm4b:s8+s2] =	stream.linear.scatter [tilespmem:s18], [sflag:$0x1], $0x2000, $0x38;
	[tilespmem:$0x8000] =	vst v63  }
0xde: {  	_ = 	snop  }
0xdf: {  	[hbm4b:s9+s2] =	stream.linear.scatter [tilespmem:s17], [sflag:$0x1], $0x2000, $0x38;
	[tilespmem:$0x8000] =	vst v63  }
0xe0: {  	_ = 	snop  }
0xe1: {  	[hbm4b:s10+s2] =	stream.linear.scatter [tilespmem:s18], [sflag:$0x1], $0x2000, $0x38;
	[tilespmem:$0x8000] =	vst v63  }
0xe2: {  	_ = 	snop  }
0xe3: {  	[hbm4b:s11+s2] =	stream.linear.scatter [tilespmem:s17], [sflag:$0x1], $0x2000, $0x38;
	[tilespmem:$0x8000] =	vst v63  }
0xe4: {  	_ = 	snop  }
0xe5: {  	[hbm4b:s12+s2] =	stream.linear.scatter [tilespmem:s18], [sflag:$0x1], $0x2000, $0x38;
	[tilespmem:$0x8000] =	vst v63  }
0xe6: {  	_ =	swait.ge [sflag:s19], $0x2000  }
0xe7: {  	[sflag:s19] =	ssyncset.done $0x0  }
0xe8: {  	[sflag:s19] =	ssyncadd.s32 $0xFFFFE000  }
0xe9: {  	_ =	swait.ge [sflag:s19], $0x2000  }
0xea: {  	[sflag:s19] =	ssyncset.done $0x0  }
0xeb: {  	[sflag:s19] =	ssyncadd.s32 $0xFFFFE000  }
0xec: {  	_ =	swait.ge [sflag:s19], $0x2000  }
0xed: {  	[sflag:s19] =	ssyncset.done $0x0  }
0xee: {  	[sflag:s19] =	ssyncadd.s32 $0xFFFFE000  }
0xef: {  	_ =	swait.ge [sflag:s19], $0x2000  }
0xf0: {  	[sflag:s19] =	ssyncset.done $0x0  }
0xf1: {  	[sflag:s19] =	ssyncadd.s32 $0xFFFFE000  }
0xf2: {  	_ =	swait.ge [sflag:s19], $0x2000  }
0xf3: {  	[sflag:s19] =	ssyncset.done $0x0  }
0xf4: {  	[sflag:s19] =	ssyncadd.s32 $0xFFFFE000  }
0xf5: {  	_ =	swait.ge [sflag:s19], $0x2000  }
0xf6: {  	[sflag:s19] =	ssyncset.done $0x0  }
0xf7: {  	s20 =	sadd.s32 $0x1, s20;
	[sflag:s19] =	ssyncadd.s32 $0xFFFFE000  }
0xf8: {  	p0 =	sne.s32 s20, s13;
	_ =	swait.ge [sflag:s19], $0x2000  }
.Ltmp8:
0xf9: {  	[sflag:s19] =	ssyncset.done $0x0;
	(pc) =	sbr.rel @p0 .LBB2_1-.Ltmp8, $4  }
0xfa: {  	[sflag:s19] =	ssyncadd.s32 $0xFFFFE000  }
0xfb: {  	_ =	swait.ge [sflag:s19], $0x2000  }
0xfc: {  	[sflag:s19] =	ssyncset.done $0x0  }
0xfd: {  	[sflag:s19] =	ssyncadd.s32 $0xFFFFE000  }
0xfe: {  	_ =	sfence.sel $0x180000  }
0xff: {  	[bflag:$0x0] =	sbarrier.arrive $0xFFFF  }
0x100: {  	p0 =	sne.s32 s1, $0x0;
	_ =	strace $0x90000047  }
0x101: {  	s0 =	sadd.s32 @!p0 $0x100000, s0;
	[bflag:$0x2] =	sbarrier.arrive $0xFFFF  }
0x102: {  	[sflag:s0] =	ssyncadd.tile.s32 @!p0 $0x1;
	_ =	shalt  }
.Lfunc_end2:
_tile_overlayer_lowered:
.L_overlay_start_2:
0x103: {  	(tag) =	ssettag $0x2  }
0x104: {  	s0 =	rddreg [dreg:$0x0];
	s2 =	stileid.u32  }
0x105: {  	s1 =	rddreg [dreg:$0x1];
	p0 =	sne.s32 s2, $0x0  }
0x106: {  	s3 =	rddreg [dreg:$0x2];
	[bflag:$0x3] =	sbarrier.arrive $0xFFFF;
	s2 =	simm.s32 @!p0 $0x1C02  }
0x107: {  	[timem:s3], [sflag:s2] =	dma.local @!p0 [hbm:s0], s1  }
0x108: {  	s0 =	simm.s32 @!p0 $0x2  }
0x109: {  	_ =	swait.ge @!p0 [sflag:s0], s1  }
0x10a: {  	s1 =	ssub.s32 @!p0 $0x0, s1;
	[sflag:s0] =	ssyncset.done @!p0 $0x0  }
0x10b: {  	[sflag:s0] =	ssyncadd.s32 @!p0 s1  }
0x10c: {  	[bflag:$0x3] =	sbarrier.arrive $0xFFFF  }
0x10d: {  	_ =	shalt  }

</sc_bundles>
